<compile_context>
chip_gen: v7x
topology: tpu7x:2x2x1
jax: 0.10.2.dev20260603
libtpu: 0.0.44.dev20260713+nightly
codegen_flags: <defaults>
</compile_context>

<pallas_src>
import functools

import numpy as np
import jax
import jax.numpy as jnp
from jax import lax
from jax.experimental import pallas as pl
from jax.experimental.pallas import tpu as pltpu
from jax.experimental.pallas import tpu_sc as plsc

B = 8
NQ = 5000
NT = 1000
NM = 1000
NP = 5008
NV = NP // 16
NOUT = 1024
NBINS = 256
NJOBS = 2 * B

_I32_MIN = np.int32(-(2**31))


def _area_key(x1, y1, x2, y2):
    a = (x2 - x1) * (y2 - y1)
    a = jnp.where(a == 0.0, 0.0, a)
    u = lax.bitcast_convert_type(a, jnp.int32)
    s = u >> 31
    m = u ^ (s | _I32_MIN)
    return ~m


def _sc_sort_body(pred_hbm, targ_hbm, out_hbm,
                  px1, py1, px2, py2, tx1, ty1, tx2, ty2,
                  kin, ka, kb, va, vb, hist, hist2):
    wid = lax.axis_index("s")
    lane = lax.iota(jnp.int32, 16)
    ones = jnp.ones(16, jnp.int32)
    zeros16 = jnp.zeros((16,), jnp.int32)
    neg16 = jnp.full((16,), -1, jnp.int32)

    def clr(h):
        def body(j, c):
            h[pl.ds(j * 16, 16)] = zeros16
            return c
        lax.fori_loop(0, NBINS // 16, body, 0)

    def build_keys(x1b, y1b, x2b, y2b, n_el):
        nfull = n_el // 16

        def body(i, c):
            key = _area_key(
                x1b[pl.ds(i * 16, 16)], y1b[pl.ds(i * 16, 16)],
                x2b[pl.ds(i * 16, 16)], y2b[pl.ds(i * 16, 16)])
            kin[pl.ds(i * 16, 16)] = key
            d = lax.shift_right_logical(key, 24)
            plsc.addupdate_scatter(hist, [d], ones)
            return c
        lax.fori_loop(0, nfull, body, 0)

        e = lane + nfull * 16
        valid = e < n_el
        idx = jnp.where(valid, e, 0)
        key = _area_key(
            plsc.load_gather(x1b, [idx]), plsc.load_gather(y1b, [idx]),
            plsc.load_gather(x2b, [idx]), plsc.load_gather(y2b, [idx]))
        key = jnp.where(valid, key, -1)
        kin[pl.ds(nfull * 16, 16)] = key
        d = lax.shift_right_logical(key, 24)
        plsc.addupdate_scatter(hist, [d], ones)

        def padbody(i, c):
            kin[pl.ds(i * 16, 16)] = neg16
            return c
        lax.fori_loop(nfull + 1, NV, padbody, 0)

    clr(hist)

    @pl.when(wid < B)
    def _():
        pltpu.sync_copy(pred_hbm.at[0, wid], px1)
        pltpu.sync_copy(pred_hbm.at[1, wid], py1)
        pltpu.sync_copy(pred_hbm.at[2, wid], px2)
        pltpu.sync_copy(pred_hbm.at[3, wid], py2)
        build_keys(px1, py1, px2, py2, NQ)

    @pl.when(wid >= B)
    def _():
        pltpu.sync_copy(targ_hbm.at[0, wid - B], tx1)
        pltpu.sync_copy(targ_hbm.at[1, wid - B], ty1)
        pltpu.sync_copy(targ_hbm.at[2, wid - B], tx2)
        pltpu.sync_copy(targ_hbm.at[3, wid - B], ty2)
        build_keys(tx1, ty1, tx2, ty2, NT)

    def scan_a(j, carry):
        tot, c = carry
        h = hist[pl.ds(j * 16, 16)]
        inc = plsc.cumsum(h) + tot
        c = c + jnp.sum(jnp.where(inc < NM, 1, 0))
        return (tot + jnp.sum(h), c)
    _, cut = lax.fori_loop(
        0, NBINS // 16, scan_a, (jnp.int32(0), jnp.int32(0)))

    clr(hist)

    def compact(i, off):
        k = kin[pl.ds(i * 16, 16)]
        d = lax.shift_right_logical(k, 24)
        m = d <= cut
        plsc.store_compressed(kb.at[pl.ds(off, 16)], k, mask=m)
        plsc.store_compressed(vb.at[pl.ds(off, 16)], lane + i * 16, mask=m)
        d0 = k & 255
        plsc.addupdate_scatter(hist, [d0], ones, mask=m)
        return off + plsc.all_reduce_population_count(m)[0]
    off = lax.fori_loop(0, NV, compact, jnp.int32(0))

    kb[pl.ds(off, 16)] = neg16
    vb[pl.ds(off, 16)] = lane + NP
    plsc.addupdate_scatter(
        hist, [jnp.full((16,), 255, jnp.int32)],
        jnp.full((16,), 16, jnp.int32), mask=lane == 0)
    t2 = off // 16 + 1

    bufs = [
        (kb, vb, ka, va, hist, hist2),
        (ka, va, kb, vb, hist2, hist),
        (kb, vb, ka, va, hist, hist2),
        (ka, va, kb, vb, hist2, hist),
    ]
    for p, (ki, vi, ko, vo, hc, hn) in enumerate(bufs):
        shift = 8 * p
        if p < 3:
            clr(hn)

        def scan_c(j, carry):
            h = hc[pl.ds(j * 16, 16)]
            inc = plsc.cumsum(h)
            hc[pl.ds(j * 16, 16)] = inc - h + carry
            return carry + jnp.sum(h)
        lax.fori_loop(0, NBINS // 16, scan_c, jnp.int32(0))

        def scat_body(i, c):
            k = ki[pl.ds(i * 16, 16)]
            v = vi[pl.ds(i * 16, 16)]
            d = lax.shift_right_logical(k, shift) & 255
            cnt, _ = plsc.scan_count(d)
            cur = plsc.load_gather(hc, [d])
            pos = cur + cnt - 1
            plsc.store_scatter(ko, [pos], k)
            plsc.store_scatter(vo, [pos], v)
            plsc.addupdate_scatter(hc, [d], ones)
            if p < 3:
                dn = lax.shift_right_logical(k, shift + 8) & 255
                plsc.addupdate_scatter(hn, [dn], ones)
            return c
        lax.fori_loop(0, t2, scat_body, 0)

    pltpu.sync_copy(vb.at[pl.ds(0, NOUT)], out_hbm.at[wid])


def _make_sc_sort():
    return pl.kernel(
        _sc_sort_body,
        out_type=jax.ShapeDtypeStruct((NJOBS, NOUT), jnp.int32),
        mesh=plsc.VectorSubcoreMesh(
            core_axis_name="c", subcore_axis_name="s", num_cores=1),
        compiler_params=pltpu.CompilerParams(needs_layout_passes=False),
        scratch_types=[
            pltpu.VMEM((NQ,), jnp.float32),
            pltpu.VMEM((NQ,), jnp.float32),
            pltpu.VMEM((NQ,), jnp.float32),
            pltpu.VMEM((NQ,), jnp.float32),
            pltpu.VMEM((NT,), jnp.float32),
            pltpu.VMEM((NT,), jnp.float32),
            pltpu.VMEM((NT,), jnp.float32),
            pltpu.VMEM((NT,), jnp.float32),
            pltpu.VMEM((NP,), jnp.int32),
            pltpu.VMEM((NP + 32,), jnp.int32),
            pltpu.VMEM((NP + 32,), jnp.int32),
            pltpu.VMEM((NP + 32,), jnp.int32),
            pltpu.VMEM((NP + 32,), jnp.int32),
            pltpu.VMEM((NBINS,), jnp.int32),
            pltpu.VMEM((NBINS,), jnp.int32),
        ],
    )


@functools.cache
def _get_sc_sort():
    return _make_sc_sort()


def kernel(logits, pred_boxes, target_boxes, class_labels):
    del logits, class_labels
    pt = jnp.transpose(pred_boxes, (2, 0, 1))
    tt = jnp.transpose(target_boxes, (2, 0, 1))
    out = _get_sc_sort()(pt, tt)
    matched_pred = out[:B, :NM]
    matched_target = out[B:, :NM]
    return (matched_pred, matched_target)

# --- scband reference (transcript-rebuilt; emitter-appended) ---
"""Pipeline reference for scband-size-based-matcher-32573031973202 (READ-ONLY COPY).

The authoritative reference and input builder live on the scoring server;
editing this copy changes nothing except your own understanding.
"""

import jax, jax.numpy as jnp
import numpy as np

DESCENDING = True

def _box_area(boxes):
    # boxes: [..., 4] interpreted as (x1, y1, x2, y2) by the original unbind math
    x1 = boxes[..., 0]
    y1 = boxes[..., 1]
    x2 = boxes[..., 2]
    y2 = boxes[..., 3]
    return (x2 - x1) * (y2 - y1)


def setup_inputs(seed: int = 0) -> dict:
    key = jax.random.key(seed)
    k1, k2, k3, k4 = jax.random.split(key, 4)
    B, Nq, C, Nt = 8, 5000, 91, 1000
    logits = jax.random.normal(k1, (B, Nq, C), dtype=jnp.float32)
    pred_boxes = jax.random.uniform(k2, (B, Nq, 4), dtype=jnp.float32)
    target_boxes = jax.random.uniform(k3, (B, Nt, 4), dtype=jnp.float32)
    class_labels = jax.random.randint(k4, (B, Nt), 0, C).astype(jnp.int64)
    return {
        "logits": logits,
        "pred_boxes": pred_boxes,
        "target_boxes": target_boxes,
        "class_labels": class_labels,
    }


def reference(logits, pred_boxes, target_boxes, class_labels):
    # Vectorized over the batch dimension (original loops over batch).
    pred_areas = _box_area(pred_boxes)      # [B, Nq]
    target_areas = _box_area(target_boxes)  # [B, Nt]
    if DESCENDING:
        pred_indices = jnp.argsort(-pred_areas, axis=1)
        target_indices = jnp.argsort(-target_areas, axis=1)
    else:
        pred_indices = jnp.argsort(pred_areas, axis=1)
        target_indices = jnp.argsort(target_areas, axis=1)
    num_to_match = min(pred_boxes.shape[1], target_boxes.shape[1])
    matched_pred_indices = pred_indices[:, :num_to_match]
    matched_target_indices = target_indices[:, :num_to_match]
    return (matched_pred_indices, matched_target_indices)

if __name__ == "__main__":
    import jax
    _d = setup_inputs()
    print(jax.jit(kernel)(*tuple(_d.values())))

</pallas_src>

<mosaic_0001>
#map = affine_map<(d0, d1) -> (0, 0, 0)>
#map1 = affine_map<(d0, d1) -> (0, 0)>
module attributes {stable_mosaic.version = 14 : i64} {
  func.func @_sc_sort_body(%arg0: i32, %arg1: i32, %arg2: memref<4x8x5000xf32, #tpu.memory_space<hbm>>, %arg3: memref<4x8x1000xf32, #tpu.memory_space<hbm>>, %arg4: memref<16x1024xi32, #tpu.memory_space<hbm>>, %arg5: memref<5000xf32, #tpu.memory_space<vmem>>, %arg6: memref<5000xf32, #tpu.memory_space<vmem>>, %arg7: memref<5000xf32, #tpu.memory_space<vmem>>, %arg8: memref<5000xf32, #tpu.memory_space<vmem>>, %arg9: memref<1000xf32, #tpu.memory_space<vmem>>, %arg10: memref<1000xf32, #tpu.memory_space<vmem>>, %arg11: memref<1000xf32, #tpu.memory_space<vmem>>, %arg12: memref<1000xf32, #tpu.memory_space<vmem>>, %arg13: memref<5008xi32, #tpu.memory_space<vmem>>, %arg14: memref<5040xi32, #tpu.memory_space<vmem>>, %arg15: memref<5040xi32, #tpu.memory_space<vmem>>, %arg16: memref<5040xi32, #tpu.memory_space<vmem>>, %arg17: memref<5040xi32, #tpu.memory_space<vmem>>, %arg18: memref<256xi32, #tpu.memory_space<vmem>>, %arg19: memref<256xi32, #tpu.memory_space<vmem>>) attributes {dimension_semantics = [#tpu.dimension_semantics<core_parallel>, #tpu.dimension_semantics<subcore_parallel>], iteration_bounds = array<i64: 1, 16>, scalar_prefetch = 0 : i64, scratch_operands = 15 : i64, tpu.core_type = #tpu.core_type<sc_vector_subcore>, window_params = [{transform_indices = #map}, {transform_indices = #map}, {transform_indices = #map1}]} {
    %iota3A = tpu.iota {dimensions = array<i32: 0>} : vector<16xi32>
    %broadcast_in_dim3A = arith.constant 1 : i32
    %broadcast_in_dim3A_0 = vector.broadcast %broadcast_in_dim3A : i32 to vector<16xi32>
    %broadcast_in_dim3A_1 = arith.constant 0 : i32
    %broadcast_in_dim3A_2 = vector.broadcast %broadcast_in_dim3A_1 : i32 to vector<16xi32>
    %broadcast_in_dim3A_3 = arith.constant -1 : i32
    %broadcast_in_dim3A_4 = vector.broadcast %broadcast_in_dim3A_3 : i32 to vector<16xi32>
    %scan3A = arith.constant 0 : i32
    %scan3A_5 = arith.constant 0 : i32
    %scan3A_6 = arith.constant 16 : i32
    %scan3A_7 = arith.addi %scan3A_5, %scan3A_6 : i32
    %scan3A_8 = arith.constant 1 : i32
    scf.for %scan3A_151 = %scan3A_5 to %scan3A_7 step %scan3A_8  : i32 {
      %mul3A = arith.constant 16 : i32
      %mul3A_152 = arith.muli %scan3A_151, %mul3A : i32
      %swap3A_153 = arith.index_cast %mul3A_152 : i32 to index
      %swap3A_154 = tpu.vector_load %arg18[%swap3A_153] {strides = array<i32>} : memref<256xi32, #tpu.memory_space<vmem>>, vector<16xi32>,
      tpu.vector_store %arg18[%swap3A_153], %broadcast_in_dim3A_2 {strides = array<i32>} : memref<256xi32, #tpu.memory_space<vmem>>, vector<16xi32>,
    }
    %scan3A_9 = arith.constant 16 : i32
    %lt3A = arith.constant 8 : i32
    %lt3A_10 = arith.cmpi slt, %arg1, %lt3A : i32
    %convert_element_type3A = arith.extui %lt3A_10 : i1 to i32
    %cond3A = arith.constant 0 : i32
    %cond3A_11 = arith.cmpi ne, %convert_element_type3A, %cond3A : i32
    scf.if %cond3A_11 {
      %run_scoped3A = arith.constant 0 : i32
      "tpu.region"() ({
        %run_scoped3A_197 = tpu.sem_alloc : memref<!tpu.dma_semaphore, #tpu.memory_space<semaphore_mem>>
        %dma_start3A = arith.constant 0 : i32
        %dma_start3A_198 = tpu.memref_slice %arg2[%run_scoped3A, %arg1, %dma_start3A] : memref<4x8x5000xf32, #tpu.memory_space<hbm>> -> memref<1x1x5000xf32, #tpu.memory_space<hbm>>
        %dma_start3A_199 = tpu.memref_squeeze %dma_start3A_198 : memref<1x1x5000xf32, #tpu.memory_space<hbm>> -> memref<5000xf32, #tpu.memory_space<hbm>>
        %dma_start3A_200 = arith.constant 0 : i32
        %dma_start3A_201 = tpu.memref_slice %arg2[%run_scoped3A, %arg1, %dma_start3A_200] : memref<4x8x5000xf32, #tpu.memory_space<hbm>> -> memref<1x1x5000xf32, #tpu.memory_space<hbm>>
        %dma_start3A_202 = tpu.memref_squeeze %dma_start3A_201 : memref<1x1x5000xf32, #tpu.memory_space<hbm>> -> memref<5000xf32, #tpu.memory_space<hbm>>
        tpu.enqueue_dma source(%dma_start3A_202 : memref<5000xf32, #tpu.memory_space<hbm>>) target(%arg5 : memref<5000xf32, #tpu.memory_space<vmem>>) target_semaphore(%run_scoped3A_197 : memref<!tpu.dma_semaphore, #tpu.memory_space<semaphore_mem>>)
        %dma_wait3A = arith.constant 0 : i32
        %dma_wait3A_203 = tpu.memref_slice %arg2[%run_scoped3A, %arg1, %dma_wait3A] : memref<4x8x5000xf32, #tpu.memory_space<hbm>> -> memref<1x1x5000xf32, #tpu.memory_space<hbm>>
        %dma_wait3A_204 = tpu.memref_squeeze %dma_wait3A_203 : memref<1x1x5000xf32, #tpu.memory_space<hbm>> -> memref<5000xf32, #tpu.memory_space<hbm>>
        %dma_wait3A_205 = arith.constant 0 : i32
        %dma_wait3A_206 = tpu.memref_slice %arg2[%run_scoped3A, %arg1, %dma_wait3A_205] : memref<4x8x5000xf32, #tpu.memory_space<hbm>> -> memref<1x1x5000xf32, #tpu.memory_space<hbm>>
        %dma_wait3A_207 = tpu.memref_squeeze %dma_wait3A_206 : memref<1x1x5000xf32, #tpu.memory_space<hbm>> -> memref<5000xf32, #tpu.memory_space<hbm>>
        tpu.wait_dma2 semaphore(%run_scoped3A_197 : memref<!tpu.dma_semaphore, #tpu.memory_space<semaphore_mem>>) src(%dma_wait3A_207 : memref<5000xf32, #tpu.memory_space<hbm>>) dst(%arg5 : memref<5000xf32, #tpu.memory_space<vmem>>)
        tpu.yield
      }) : () -> ()
      %run_scoped3A_151 = arith.constant 1 : i32
      "tpu.region"() ({
        %run_scoped3A_197 = tpu.sem_alloc : memref<!tpu.dma_semaphore, #tpu.memory_space<semaphore_mem>>
        %dma_start3A = arith.constant 0 : i32
        %dma_start3A_198 = tpu.memref_slice %arg2[%run_scoped3A_151, %arg1, %dma_start3A] : memref<4x8x5000xf32, #tpu.memory_space<hbm>> -> memref<1x1x5000xf32, #tpu.memory_space<hbm>>
        %dma_start3A_199 = tpu.memref_squeeze %dma_start3A_198 : memref<1x1x5000xf32, #tpu.memory_space<hbm>> -> memref<5000xf32, #tpu.memory_space<hbm>>
        %dma_start3A_200 = arith.constant 0 : i32
        %dma_start3A_201 = tpu.memref_slice %arg2[%run_scoped3A_151, %arg1, %dma_start3A_200] : memref<4x8x5000xf32, #tpu.memory_space<hbm>> -> memref<1x1x5000xf32, #tpu.memory_space<hbm>>
        %dma_start3A_202 = tpu.memref_squeeze %dma_start3A_201 : memref<1x1x5000xf32, #tpu.memory_space<hbm>> -> memref<5000xf32, #tpu.memory_space<hbm>>
        tpu.enqueue_dma source(%dma_start3A_202 : memref<5000xf32, #tpu.memory_space<hbm>>) target(%arg6 : memref<5000xf32, #tpu.memory_space<vmem>>) target_semaphore(%run_scoped3A_197 : memref<!tpu.dma_semaphore, #tpu.memory_space<semaphore_mem>>)
        %dma_wait3A = arith.constant 0 : i32
        %dma_wait3A_203 = tpu.memref_slice %arg2[%run_scoped3A_151, %arg1, %dma_wait3A] : memref<4x8x5000xf32, #tpu.memory_space<hbm>> -> memref<1x1x5000xf32, #tpu.memory_space<hbm>>
        %dma_wait3A_204 = tpu.memref_squeeze %dma_wait3A_203 : memref<1x1x5000xf32, #tpu.memory_space<hbm>> -> memref<5000xf32, #tpu.memory_space<hbm>>
        %dma_wait3A_205 = arith.constant 0 : i32
        %dma_wait3A_206 = tpu.memref_slice %arg2[%run_scoped3A_151, %arg1, %dma_wait3A_205] : memref<4x8x5000xf32, #tpu.memory_space<hbm>> -> memref<1x1x5000xf32, #tpu.memory_space<hbm>>
        %dma_wait3A_207 = tpu.memref_squeeze %dma_wait3A_206 : memref<1x1x5000xf32, #tpu.memory_space<hbm>> -> memref<5000xf32, #tpu.memory_space<hbm>>
        tpu.wait_dma2 semaphore(%run_scoped3A_197 : memref<!tpu.dma_semaphore, #tpu.memory_space<semaphore_mem>>) src(%dma_wait3A_207 : memref<5000xf32, #tpu.memory_space<hbm>>) dst(%arg6 : memref<5000xf32, #tpu.memory_space<vmem>>)
        tpu.yield
      }) : () -> ()
      %run_scoped3A_152 = arith.constant 2 : i32
      "tpu.region"() ({
        %run_scoped3A_197 = tpu.sem_alloc : memref<!tpu.dma_semaphore, #tpu.memory_space<semaphore_mem>>
        %dma_start3A = arith.constant 0 : i32
        %dma_start3A_198 = tpu.memref_slice %arg2[%run_scoped3A_152, %arg1, %dma_start3A] : memref<4x8x5000xf32, #tpu.memory_space<hbm>> -> memref<1x1x5000xf32, #tpu.memory_space<hbm>>
        %dma_start3A_199 = tpu.memref_squeeze %dma_start3A_198 : memref<1x1x5000xf32, #tpu.memory_space<hbm>> -> memref<5000xf32, #tpu.memory_space<hbm>>
        %dma_start3A_200 = arith.constant 0 : i32
        %dma_start3A_201 = tpu.memref_slice %arg2[%run_scoped3A_152, %arg1, %dma_start3A_200] : memref<4x8x5000xf32, #tpu.memory_space<hbm>> -> memref<1x1x5000xf32, #tpu.memory_space<hbm>>
        %dma_start3A_202 = tpu.memref_squeeze %dma_start3A_201 : memref<1x1x5000xf32, #tpu.memory_space<hbm>> -> memref<5000xf32, #tpu.memory_space<hbm>>
        tpu.enqueue_dma source(%dma_start3A_202 : memref<5000xf32, #tpu.memory_space<hbm>>) target(%arg7 : memref<5000xf32, #tpu.memory_space<vmem>>) target_semaphore(%run_scoped3A_197 : memref<!tpu.dma_semaphore, #tpu.memory_space<semaphore_mem>>)
        %dma_wait3A = arith.constant 0 : i32
        %dma_wait3A_203 = tpu.memref_slice %arg2[%run_scoped3A_152, %arg1, %dma_wait3A] : memref<4x8x5000xf32, #tpu.memory_space<hbm>> -> memref<1x1x5000xf32, #tpu.memory_space<hbm>>
        %dma_wait3A_204 = tpu.memref_squeeze %dma_wait3A_203 : memref<1x1x5000xf32, #tpu.memory_space<hbm>> -> memref<5000xf32, #tpu.memory_space<hbm>>
        %dma_wait3A_205 = arith.constant 0 : i32
        %dma_wait3A_206 = tpu.memref_slice %arg2[%run_scoped3A_152, %arg1, %dma_wait3A_205] : memref<4x8x5000xf32, #tpu.memory_space<hbm>> -> memref<1x1x5000xf32, #tpu.memory_space<hbm>>
        %dma_wait3A_207 = tpu.memref_squeeze %dma_wait3A_206 : memref<1x1x5000xf32, #tpu.memory_space<hbm>> -> memref<5000xf32, #tpu.memory_space<hbm>>
        tpu.wait_dma2 semaphore(%run_scoped3A_197 : memref<!tpu.dma_semaphore, #tpu.memory_space<semaphore_mem>>) src(%dma_wait3A_207 : memref<5000xf32, #tpu.memory_space<hbm>>) dst(%arg7 : memref<5000xf32, #tpu.memory_space<vmem>>)
        tpu.yield
      }) : () -> ()
      %run_scoped3A_153 = arith.constant 3 : i32
      "tpu.region"() ({
        %run_scoped3A_197 = tpu.sem_alloc : memref<!tpu.dma_semaphore, #tpu.memory_space<semaphore_mem>>
        %dma_start3A = arith.constant 0 : i32
        %dma_start3A_198 = tpu.memref_slice %arg2[%run_scoped3A_153, %arg1, %dma_start3A] : memref<4x8x5000xf32, #tpu.memory_space<hbm>> -> memref<1x1x5000xf32, #tpu.memory_space<hbm>>
        %dma_start3A_199 = tpu.memref_squeeze %dma_start3A_198 : memref<1x1x5000xf32, #tpu.memory_space<hbm>> -> memref<5000xf32, #tpu.memory_space<hbm>>
        %dma_start3A_200 = arith.constant 0 : i32
        %dma_start3A_201 = tpu.memref_slice %arg2[%run_scoped3A_153, %arg1, %dma_start3A_200] : memref<4x8x5000xf32, #tpu.memory_space<hbm>> -> memref<1x1x5000xf32, #tpu.memory_space<hbm>>
        %dma_start3A_202 = tpu.memref_squeeze %dma_start3A_201 : memref<1x1x5000xf32, #tpu.memory_space<hbm>> -> memref<5000xf32, #tpu.memory_space<hbm>>
        tpu.enqueue_dma source(%dma_start3A_202 : memref<5000xf32, #tpu.memory_space<hbm>>) target(%arg8 : memref<5000xf32, #tpu.memory_space<vmem>>) target_semaphore(%run_scoped3A_197 : memref<!tpu.dma_semaphore, #tpu.memory_space<semaphore_mem>>)
        %dma_wait3A = arith.constant 0 : i32
        %dma_wait3A_203 = tpu.memref_slice %arg2[%run_scoped3A_153, %arg1, %dma_wait3A] : memref<4x8x5000xf32, #tpu.memory_space<hbm>> -> memref<1x1x5000xf32, #tpu.memory_space<hbm>>
        %dma_wait3A_204 = tpu.memref_squeeze %dma_wait3A_203 : memref<1x1x5000xf32, #tpu.memory_space<hbm>> -> memref<5000xf32, #tpu.memory_space<hbm>>
        %dma_wait3A_205 = arith.constant 0 : i32
        %dma_wait3A_206 = tpu.memref_slice %arg2[%run_scoped3A_153, %arg1, %dma_wait3A_205] : memref<4x8x5000xf32, #tpu.memory_space<hbm>> -> memref<1x1x5000xf32, #tpu.memory_space<hbm>>
        %dma_wait3A_207 = tpu.memref_squeeze %dma_wait3A_206 : memref<1x1x5000xf32, #tpu.memory_space<hbm>> -> memref<5000xf32, #tpu.memory_space<hbm>>
        tpu.wait_dma2 semaphore(%run_scoped3A_197 : memref<!tpu.dma_semaphore, #tpu.memory_space<semaphore_mem>>) src(%dma_wait3A_207 : memref<5000xf32, #tpu.memory_space<hbm>>) dst(%arg8 : memref<5000xf32, #tpu.memory_space<vmem>>)
        tpu.yield
      }) : () -> ()
      %scan3A_154 = arith.constant 0 : i32
      %scan3A_155 = arith.constant 0 : i32
      %scan3A_156 = arith.constant 312 : i32
      %scan3A_157 = arith.addi %scan3A_155, %scan3A_156 : i32
      %scan3A_158 = arith.constant 1 : i32
      scf.for %scan3A_197 = %scan3A_155 to %scan3A_157 step %scan3A_158  : i32 {
        %mul3A_198 = arith.constant 16 : i32
        %mul3A_199 = arith.muli %scan3A_197, %mul3A_198 : i32
        %get3A = arith.index_cast %mul3A_199 : i32 to index
        %get3A_200 = tpu.vector_load %arg5[%get3A] {strides = array<i32>} : memref<5000xf32, #tpu.memory_space<vmem>>, vector<16xf32>,
        %mul3A_201 = arith.constant 16 : i32
        %mul3A_202 = arith.muli %scan3A_197, %mul3A_201 : i32
        %get3A_203 = arith.index_cast %mul3A_202 : i32 to index
        %get3A_204 = tpu.vector_load %arg6[%get3A_203] {strides = array<i32>} : memref<5000xf32, #tpu.memory_space<vmem>>, vector<16xf32>,
        %mul3A_205 = arith.constant 16 : i32
        %mul3A_206 = arith.muli %scan3A_197, %mul3A_205 : i32
        %get3A_207 = arith.index_cast %mul3A_206 : i32 to index
        %get3A_208 = tpu.vector_load %arg7[%get3A_207] {strides = array<i32>} : memref<5000xf32, #tpu.memory_space<vmem>>, vector<16xf32>,
        %mul3A_209 = arith.constant 16 : i32
        %mul3A_210 = arith.muli %scan3A_197, %mul3A_209 : i32
        %get3A_211 = arith.index_cast %mul3A_210 : i32 to index
        %get3A_212 = tpu.vector_load %arg8[%get3A_211] {strides = array<i32>} : memref<5000xf32, #tpu.memory_space<vmem>>, vector<16xf32>,
        %sub3A_213 = arith.subf %get3A_208, %get3A_200 : vector<16xf32>
        %sub3A_214 = arith.subf %get3A_212, %get3A_204 : vector<16xf32>
        %mul3A_215 = arith.mulf %sub3A_213, %sub3A_214 : vector<16xf32>
        %eq3A_216 = arith.constant 0.000000e+00 : f32
        %eq3A_217 = vector.broadcast %eq3A_216 : f32 to vector<16xf32>
        %eq3A_218 = arith.cmpf oeq, %mul3A_215, %eq3A_217 : vector<16xf32>
        %jit3A_219 = arith.constant 0.000000e+00 : f32
        %broadcast_in_dim3A_220 = vector.broadcast %jit3A_219 : f32 to vector<16xf32>
        %select_n3A_221 = arith.select %eq3A_218, %broadcast_in_dim3A_220, %mul3A_215 : vector<16xi1>, vector<16xf32>
        %bitcast_convert_type3A_222 = tpu.bitcast %select_n3A_221 : vector<16xf32> -> vector<16xi32>
        %shift_right_arithmetic3A_223 = arith.constant 31 : i32
        %shift_right_arithmetic3A_224 = vector.broadcast %shift_right_arithmetic3A_223 : i32 to vector<16xi32>
        %shift_right_arithmetic3A_225 = arith.shrsi %bitcast_convert_type3A_222, %shift_right_arithmetic3A_224 : vector<16xi32>
        %or3A_226 = arith.constant -2147483648 : i32
        %or3A_227 = vector.broadcast %or3A_226 : i32 to vector<16xi32>
        %or3A_228 = arith.ori %shift_right_arithmetic3A_225, %or3A_227 : vector<16xi32>
        %xor3A_229 = arith.xori %bitcast_convert_type3A_222, %or3A_228 : vector<16xi32>
        %not3A_230 = arith.constant dense<-1> : vector<16xi32>
        %not3A_231 = arith.xori %xor3A_229, %not3A_230 : vector<16xi32>
        %mul3A_232 = arith.constant 16 : i32
        %mul3A_233 = arith.muli %scan3A_197, %mul3A_232 : i32
        %swap3A_234 = arith.index_cast %mul3A_233 : i32 to index
        %swap3A_235 = tpu.vector_load %arg13[%swap3A_234] {strides = array<i32>} : memref<5008xi32, #tpu.memory_space<vmem>>, vector<16xi32>,
        tpu.vector_store %arg13[%swap3A_234], %not3A_231 {strides = array<i32>} : memref<5008xi32, #tpu.memory_space<vmem>>, vector<16xi32>,
        %shift_right_logical3A_236 = arith.constant 24 : i32
        %shift_right_logical3A_237 = vector.broadcast %shift_right_logical3A_236 : i32 to vector<16xi32>
        %shift_right_logical3A_238 = arith.shrui %not3A_231, %shift_right_logical3A_237 : vector<16xi32>
        tpu.vector_store_idx %arg18[%shift_right_logical3A_238], %broadcast_in_dim3A_0 {add = true} : memref<256xi32, #tpu.memory_space<vmem>>[vector<16xi32>], vector<16xi32>,
      }
      %scan3A_159 = arith.constant 312 : i32
      %add3A_160 = arith.constant 4992 : i32
      %add3A_161 = vector.broadcast %add3A_160 : i32 to vector<16xi32>
      %add3A_162 = arith.addi %iota3A, %add3A_161 : vector<16xi32>
      %lt3A_163 = arith.constant 5000 : i32
      %lt3A_164 = vector.broadcast %lt3A_163 : i32 to vector<16xi32>
      %lt3A_165 = arith.cmpi slt, %add3A_162, %lt3A_164 : vector<16xi32>
      %jit3A_166 = arith.constant 0 : i32
      %broadcast_in_dim3A_167 = vector.broadcast %jit3A_166 : i32 to vector<16xi32>
      %select_n3A_168 = arith.select %lt3A_165, %add3A_162, %broadcast_in_dim3A_167 : vector<16xi1>, vector<16xi32>
      %gather3A = tpu.vector_load_idx %arg5[%select_n3A_168] : memref<5000xf32, #tpu.memory_space<vmem>>[vector<16xi32>], vector<16xf32>,
      %gather3A_169 = tpu.vector_load_idx %arg6[%select_n3A_168] : memref<5000xf32, #tpu.memory_space<vmem>>[vector<16xi32>], vector<16xf32>,
      %gather3A_170 = tpu.vector_load_idx %arg7[%select_n3A_168] : memref<5000xf32, #tpu.memory_space<vmem>>[vector<16xi32>], vector<16xf32>,
      %gather3A_171 = tpu.vector_load_idx %arg8[%select_n3A_168] : memref<5000xf32, #tpu.memory_space<vmem>>[vector<16xi32>], vector<16xf32>,
      %sub3A_172 = arith.subf %gather3A_170, %gather3A : vector<16xf32>
      %sub3A_173 = arith.subf %gather3A_171, %gather3A_169 : vector<16xf32>
      %mul3A = arith.mulf %sub3A_172, %sub3A_173 : vector<16xf32>
      %eq3A_174 = arith.constant 0.000000e+00 : f32
      %eq3A_175 = vector.broadcast %eq3A_174 : f32 to vector<16xf32>
      %eq3A_176 = arith.cmpf oeq, %mul3A, %eq3A_175 : vector<16xf32>
      %jit3A_177 = arith.constant 0.000000e+00 : f32
      %broadcast_in_dim3A_178 = vector.broadcast %jit3A_177 : f32 to vector<16xf32>
      %select_n3A_179 = arith.select %eq3A_176, %broadcast_in_dim3A_178, %mul3A : vector<16xi1>, vector<16xf32>
      %bitcast_convert_type3A = tpu.bitcast %select_n3A_179 : vector<16xf32> -> vector<16xi32>
      %shift_right_arithmetic3A = arith.constant 31 : i32
      %shift_right_arithmetic3A_180 = vector.broadcast %shift_right_arithmetic3A : i32 to vector<16xi32>
      %shift_right_arithmetic3A_181 = arith.shrsi %bitcast_convert_type3A, %shift_right_arithmetic3A_180 : vector<16xi32>
      %or3A = arith.constant -2147483648 : i32
      %or3A_182 = vector.broadcast %or3A : i32 to vector<16xi32>
      %or3A_183 = arith.ori %shift_right_arithmetic3A_181, %or3A_182 : vector<16xi32>
      %xor3A = arith.xori %bitcast_convert_type3A, %or3A_183 : vector<16xi32>
      %not3A = arith.constant dense<-1> : vector<16xi32>
      %not3A_184 = arith.xori %xor3A, %not3A : vector<16xi32>
      %jit3A_185 = arith.constant -1 : i32
      %broadcast_in_dim3A_186 = vector.broadcast %jit3A_185 : i32 to vector<16xi32>
      %select_n3A_187 = arith.select %lt3A_165, %not3A_184, %broadcast_in_dim3A_186 : vector<16xi1>, vector<16xi32>
      %swap3A_188 = arith.constant 4992 : index
      %swap3A_189 = tpu.vector_load %arg13[%swap3A_188] {strides = array<i32>} : memref<5008xi32, #tpu.memory_space<vmem>>, vector<16xi32>,
      tpu.vector_store %arg13[%swap3A_188], %select_n3A_187 {strides = array<i32>} : memref<5008xi32, #tpu.memory_space<vmem>>, vector<16xi32>,
      %shift_right_logical3A = arith.constant 24 : i32
      %shift_right_logical3A_190 = vector.broadcast %shift_right_logical3A : i32 to vector<16xi32>
      %shift_right_logical3A_191 = arith.shrui %select_n3A_187, %shift_right_logical3A_190 : vector<16xi32>
      tpu.vector_store_idx %arg18[%shift_right_logical3A_191], %broadcast_in_dim3A_0 {add = true} : memref<256xi32, #tpu.memory_space<vmem>>[vector<16xi32>], vector<16xi32>,
      %scan3A_192 = arith.constant 0 : i32
      %scan3A_193 = arith.constant 313 : i32
      %scan3A_194 = arith.constant 0 : i32
      %scan3A_195 = arith.addi %scan3A_193, %scan3A_194 : i32
      %scan3A_196 = arith.constant 0 : i32
    } else {
    }
    %ge3A = arith.constant 8 : i32
    %ge3A_12 = arith.cmpi sge, %arg1, %ge3A : i32
    %convert_element_type3A_13 = arith.extui %ge3A_12 : i1 to i32
    %cond3A_14 = arith.constant 0 : i32
    %cond3A_15 = arith.cmpi ne, %convert_element_type3A_13, %cond3A_14 : i32
    scf.if %cond3A_15 {
      %sub3A_151 = arith.constant 8 : i32
      %sub3A_152 = arith.subi %arg1, %sub3A_151 : i32
      %run_scoped3A = arith.constant 0 : i32
      "tpu.region"() ({
        %run_scoped3A_206 = tpu.sem_alloc : memref<!tpu.dma_semaphore, #tpu.memory_space<semaphore_mem>>
        %dma_start3A = arith.constant 0 : i32
        %dma_start3A_207 = tpu.memref_slice %arg3[%run_scoped3A, %sub3A_152, %dma_start3A] : memref<4x8x1000xf32, #tpu.memory_space<hbm>> -> memref<1x1x1000xf32, #tpu.memory_space<hbm>>
        %dma_start3A_208 = tpu.memref_squeeze %dma_start3A_207 : memref<1x1x1000xf32, #tpu.memory_space<hbm>> -> memref<1000xf32, #tpu.memory_space<hbm>>
        %dma_start3A_209 = arith.constant 0 : i32
        %dma_start3A_210 = tpu.memref_slice %arg3[%run_scoped3A, %sub3A_152, %dma_start3A_209] : memref<4x8x1000xf32, #tpu.memory_space<hbm>> -> memref<1x1x1000xf32, #tpu.memory_space<hbm>>
        %dma_start3A_211 = tpu.memref_squeeze %dma_start3A_210 : memref<1x1x1000xf32, #tpu.memory_space<hbm>> -> memref<1000xf32, #tpu.memory_space<hbm>>
        tpu.enqueue_dma source(%dma_start3A_211 : memref<1000xf32, #tpu.memory_space<hbm>>) target(%arg9 : memref<1000xf32, #tpu.memory_space<vmem>>) target_semaphore(%run_scoped3A_206 : memref<!tpu.dma_semaphore, #tpu.memory_space<semaphore_mem>>)
        %dma_wait3A = arith.constant 0 : i32
        %dma_wait3A_212 = tpu.memref_slice %arg3[%run_scoped3A, %sub3A_152, %dma_wait3A] : memref<4x8x1000xf32, #tpu.memory_space<hbm>> -> memref<1x1x1000xf32, #tpu.memory_space<hbm>>
        %dma_wait3A_213 = tpu.memref_squeeze %dma_wait3A_212 : memref<1x1x1000xf32, #tpu.memory_space<hbm>> -> memref<1000xf32, #tpu.memory_space<hbm>>
        %dma_wait3A_214 = arith.constant 0 : i32
        %dma_wait3A_215 = tpu.memref_slice %arg3[%run_scoped3A, %sub3A_152, %dma_wait3A_214] : memref<4x8x1000xf32, #tpu.memory_space<hbm>> -> memref<1x1x1000xf32, #tpu.memory_space<hbm>>
        %dma_wait3A_216 = tpu.memref_squeeze %dma_wait3A_215 : memref<1x1x1000xf32, #tpu.memory_space<hbm>> -> memref<1000xf32, #tpu.memory_space<hbm>>
        tpu.wait_dma2 semaphore(%run_scoped3A_206 : memref<!tpu.dma_semaphore, #tpu.memory_space<semaphore_mem>>) src(%dma_wait3A_216 : memref<1000xf32, #tpu.memory_space<hbm>>) dst(%arg9 : memref<1000xf32, #tpu.memory_space<vmem>>)
        tpu.yield
      }) : () -> ()
      %sub3A_153 = arith.constant 8 : i32
      %sub3A_154 = arith.subi %arg1, %sub3A_153 : i32
      %run_scoped3A_155 = arith.constant 1 : i32
      "tpu.region"() ({
        %run_scoped3A_206 = tpu.sem_alloc : memref<!tpu.dma_semaphore, #tpu.memory_space<semaphore_mem>>
        %dma_start3A = arith.constant 0 : i32
        %dma_start3A_207 = tpu.memref_slice %arg3[%run_scoped3A_155, %sub3A_154, %dma_start3A] : memref<4x8x1000xf32, #tpu.memory_space<hbm>> -> memref<1x1x1000xf32, #tpu.memory_space<hbm>>
        %dma_start3A_208 = tpu.memref_squeeze %dma_start3A_207 : memref<1x1x1000xf32, #tpu.memory_space<hbm>> -> memref<1000xf32, #tpu.memory_space<hbm>>
        %dma_start3A_209 = arith.constant 0 : i32
        %dma_start3A_210 = tpu.memref_slice %arg3[%run_scoped3A_155, %sub3A_154, %dma_start3A_209] : memref<4x8x1000xf32, #tpu.memory_space<hbm>> -> memref<1x1x1000xf32, #tpu.memory_space<hbm>>
        %dma_start3A_211 = tpu.memref_squeeze %dma_start3A_210 : memref<1x1x1000xf32, #tpu.memory_space<hbm>> -> memref<1000xf32, #tpu.memory_space<hbm>>
        tpu.enqueue_dma source(%dma_start3A_211 : memref<1000xf32, #tpu.memory_space<hbm>>) target(%arg10 : memref<1000xf32, #tpu.memory_space<vmem>>) target_semaphore(%run_scoped3A_206 : memref<!tpu.dma_semaphore, #tpu.memory_space<semaphore_mem>>)
        %dma_wait3A = arith.constant 0 : i32
        %dma_wait3A_212 = tpu.memref_slice %arg3[%run_scoped3A_155, %sub3A_154, %dma_wait3A] : memref<4x8x1000xf32, #tpu.memory_space<hbm>> -> memref<1x1x1000xf32, #tpu.memory_space<hbm>>
        %dma_wait3A_213 = tpu.memref_squeeze %dma_wait3A_212 : memref<1x1x1000xf32, #tpu.memory_space<hbm>> -> memref<1000xf32, #tpu.memory_space<hbm>>
        %dma_wait3A_214 = arith.constant 0 : i32
        %dma_wait3A_215 = tpu.memref_slice %arg3[%run_scoped3A_155, %sub3A_154, %dma_wait3A_214] : memref<4x8x1000xf32, #tpu.memory_space<hbm>> -> memref<1x1x1000xf32, #tpu.memory_space<hbm>>
        %dma_wait3A_216 = tpu.memref_squeeze %dma_wait3A_215 : memref<1x1x1000xf32, #tpu.memory_space<hbm>> -> memref<1000xf32, #tpu.memory_space<hbm>>
        tpu.wait_dma2 semaphore(%run_scoped3A_206 : memref<!tpu.dma_semaphore, #tpu.memory_space<semaphore_mem>>) src(%dma_wait3A_216 : memref<1000xf32, #tpu.memory_space<hbm>>) dst(%arg10 : memref<1000xf32, #tpu.memory_space<vmem>>)
        tpu.yield
      }) : () -> ()
      %sub3A_156 = arith.constant 8 : i32
      %sub3A_157 = arith.subi %arg1, %sub3A_156 : i32
      %run_scoped3A_158 = arith.constant 2 : i32
      "tpu.region"() ({
        %run_scoped3A_206 = tpu.sem_alloc : memref<!tpu.dma_semaphore, #tpu.memory_space<semaphore_mem>>
        %dma_start3A = arith.constant 0 : i32
        %dma_start3A_207 = tpu.memref_slice %arg3[%run_scoped3A_158, %sub3A_157, %dma_start3A] : memref<4x8x1000xf32, #tpu.memory_space<hbm>> -> memref<1x1x1000xf32, #tpu.memory_space<hbm>>
        %dma_start3A_208 = tpu.memref_squeeze %dma_start3A_207 : memref<1x1x1000xf32, #tpu.memory_space<hbm>> -> memref<1000xf32, #tpu.memory_space<hbm>>
        %dma_start3A_209 = arith.constant 0 : i32
        %dma_start3A_210 = tpu.memref_slice %arg3[%run_scoped3A_158, %sub3A_157, %dma_start3A_209] : memref<4x8x1000xf32, #tpu.memory_space<hbm>> -> memref<1x1x1000xf32, #tpu.memory_space<hbm>>
        %dma_start3A_211 = tpu.memref_squeeze %dma_start3A_210 : memref<1x1x1000xf32, #tpu.memory_space<hbm>> -> memref<1000xf32, #tpu.memory_space<hbm>>
        tpu.enqueue_dma source(%dma_start3A_211 : memref<1000xf32, #tpu.memory_space<hbm>>) target(%arg11 : memref<1000xf32, #tpu.memory_space<vmem>>) target_semaphore(%run_scoped3A_206 : memref<!tpu.dma_semaphore, #tpu.memory_space<semaphore_mem>>)
        %dma_wait3A = arith.constant 0 : i32
        %dma_wait3A_212 = tpu.memref_slice %arg3[%run_scoped3A_158, %sub3A_157, %dma_wait3A] : memref<4x8x1000xf32, #tpu.memory_space<hbm>> -> memref<1x1x1000xf32, #tpu.memory_space<hbm>>
        %dma_wait3A_213 = tpu.memref_squeeze %dma_wait3A_212 : memref<1x1x1000xf32, #tpu.memory_space<hbm>> -> memref<1000xf32, #tpu.memory_space<hbm>>
        %dma_wait3A_214 = arith.constant 0 : i32
        %dma_wait3A_215 = tpu.memref_slice %arg3[%run_scoped3A_158, %sub3A_157, %dma_wait3A_214] : memref<4x8x1000xf32, #tpu.memory_space<hbm>> -> memref<1x1x1000xf32, #tpu.memory_space<hbm>>
        %dma_wait3A_216 = tpu.memref_squeeze %dma_wait3A_215 : memref<1x1x1000xf32, #tpu.memory_space<hbm>> -> memref<1000xf32, #tpu.memory_space<hbm>>
        tpu.wait_dma2 semaphore(%run_scoped3A_206 : memref<!tpu.dma_semaphore, #tpu.memory_space<semaphore_mem>>) src(%dma_wait3A_216 : memref<1000xf32, #tpu.memory_space<hbm>>) dst(%arg11 : memref<1000xf32, #tpu.memory_space<vmem>>)
        tpu.yield
      }) : () -> ()
      %sub3A_159 = arith.constant 8 : i32
      %sub3A_160 = arith.subi %arg1, %sub3A_159 : i32
      %run_scoped3A_161 = arith.constant 3 : i32
      "tpu.region"() ({
        %run_scoped3A_206 = tpu.sem_alloc : memref<!tpu.dma_semaphore, #tpu.memory_space<semaphore_mem>>
        %dma_start3A = arith.constant 0 : i32
        %dma_start3A_207 = tpu.memref_slice %arg3[%run_scoped3A_161, %sub3A_160, %dma_start3A] : memref<4x8x1000xf32, #tpu.memory_space<hbm>> -> memref<1x1x1000xf32, #tpu.memory_space<hbm>>
        %dma_start3A_208 = tpu.memref_squeeze %dma_start3A_207 : memref<1x1x1000xf32, #tpu.memory_space<hbm>> -> memref<1000xf32, #tpu.memory_space<hbm>>
        %dma_start3A_209 = arith.constant 0 : i32
        %dma_start3A_210 = tpu.memref_slice %arg3[%run_scoped3A_161, %sub3A_160, %dma_start3A_209] : memref<4x8x1000xf32, #tpu.memory_space<hbm>> -> memref<1x1x1000xf32, #tpu.memory_space<hbm>>
        %dma_start3A_211 = tpu.memref_squeeze %dma_start3A_210 : memref<1x1x1000xf32, #tpu.memory_space<hbm>> -> memref<1000xf32, #tpu.memory_space<hbm>>
        tpu.enqueue_dma source(%dma_start3A_211 : memref<1000xf32, #tpu.memory_space<hbm>>) target(%arg12 : memref<1000xf32, #tpu.memory_space<vmem>>) target_semaphore(%run_scoped3A_206 : memref<!tpu.dma_semaphore, #tpu.memory_space<semaphore_mem>>)
        %dma_wait3A = arith.constant 0 : i32
        %dma_wait3A_212 = tpu.memref_slice %arg3[%run_scoped3A_161, %sub3A_160, %dma_wait3A] : memref<4x8x1000xf32, #tpu.memory_space<hbm>> -> memref<1x1x1000xf32, #tpu.memory_space<hbm>>
        %dma_wait3A_213 = tpu.memref_squeeze %dma_wait3A_212 : memref<1x1x1000xf32, #tpu.memory_space<hbm>> -> memref<1000xf32, #tpu.memory_space<hbm>>
        %dma_wait3A_214 = arith.constant 0 : i32
        %dma_wait3A_215 = tpu.memref_slice %arg3[%run_scoped3A_161, %sub3A_160, %dma_wait3A_214] : memref<4x8x1000xf32, #tpu.memory_space<hbm>> -> memref<1x1x1000xf32, #tpu.memory_space<hbm>>
        %dma_wait3A_216 = tpu.memref_squeeze %dma_wait3A_215 : memref<1x1x1000xf32, #tpu.memory_space<hbm>> -> memref<1000xf32, #tpu.memory_space<hbm>>
        tpu.wait_dma2 semaphore(%run_scoped3A_206 : memref<!tpu.dma_semaphore, #tpu.memory_space<semaphore_mem>>) src(%dma_wait3A_216 : memref<1000xf32, #tpu.memory_space<hbm>>) dst(%arg12 : memref<1000xf32, #tpu.memory_space<vmem>>)
        tpu.yield
      }) : () -> ()
      %scan3A_162 = arith.constant 0 : i32
      %scan3A_163 = arith.constant 0 : i32
      %scan3A_164 = arith.constant 62 : i32
      %scan3A_165 = arith.addi %scan3A_163, %scan3A_164 : i32
      %scan3A_166 = arith.constant 1 : i32
      scf.for %scan3A_206 = %scan3A_163 to %scan3A_165 step %scan3A_166  : i32 {
        %mul3A_207 = arith.constant 16 : i32
        %mul3A_208 = arith.muli %scan3A_206, %mul3A_207 : i32
        %get3A = arith.index_cast %mul3A_208 : i32 to index
        %get3A_209 = tpu.vector_load %arg9[%get3A] {strides = array<i32>} : memref<1000xf32, #tpu.memory_space<vmem>>, vector<16xf32>,
        %mul3A_210 = arith.constant 16 : i32
        %mul3A_211 = arith.muli %scan3A_206, %mul3A_210 : i32
        %get3A_212 = arith.index_cast %mul3A_211 : i32 to index
        %get3A_213 = tpu.vector_load %arg10[%get3A_212] {strides = array<i32>} : memref<1000xf32, #tpu.memory_space<vmem>>, vector<16xf32>,
        %mul3A_214 = arith.constant 16 : i32
        %mul3A_215 = arith.muli %scan3A_206, %mul3A_214 : i32
        %get3A_216 = arith.index_cast %mul3A_215 : i32 to index
        %get3A_217 = tpu.vector_load %arg11[%get3A_216] {strides = array<i32>} : memref<1000xf32, #tpu.memory_space<vmem>>, vector<16xf32>,
        %mul3A_218 = arith.constant 16 : i32
        %mul3A_219 = arith.muli %scan3A_206, %mul3A_218 : i32
        %get3A_220 = arith.index_cast %mul3A_219 : i32 to index
        %get3A_221 = tpu.vector_load %arg12[%get3A_220] {strides = array<i32>} : memref<1000xf32, #tpu.memory_space<vmem>>, vector<16xf32>,
        %sub3A_222 = arith.subf %get3A_217, %get3A_209 : vector<16xf32>
        %sub3A_223 = arith.subf %get3A_221, %get3A_213 : vector<16xf32>
        %mul3A_224 = arith.mulf %sub3A_222, %sub3A_223 : vector<16xf32>
        %eq3A_225 = arith.constant 0.000000e+00 : f32
        %eq3A_226 = vector.broadcast %eq3A_225 : f32 to vector<16xf32>
        %eq3A_227 = arith.cmpf oeq, %mul3A_224, %eq3A_226 : vector<16xf32>
        %jit3A_228 = arith.constant 0.000000e+00 : f32
        %broadcast_in_dim3A_229 = vector.broadcast %jit3A_228 : f32 to vector<16xf32>
        %select_n3A_230 = arith.select %eq3A_227, %broadcast_in_dim3A_229, %mul3A_224 : vector<16xi1>, vector<16xf32>
        %bitcast_convert_type3A_231 = tpu.bitcast %select_n3A_230 : vector<16xf32> -> vector<16xi32>
        %shift_right_arithmetic3A_232 = arith.constant 31 : i32
        %shift_right_arithmetic3A_233 = vector.broadcast %shift_right_arithmetic3A_232 : i32 to vector<16xi32>
        %shift_right_arithmetic3A_234 = arith.shrsi %bitcast_convert_type3A_231, %shift_right_arithmetic3A_233 : vector<16xi32>
        %or3A_235 = arith.constant -2147483648 : i32
        %or3A_236 = vector.broadcast %or3A_235 : i32 to vector<16xi32>
        %or3A_237 = arith.ori %shift_right_arithmetic3A_234, %or3A_236 : vector<16xi32>
        %xor3A_238 = arith.xori %bitcast_convert_type3A_231, %or3A_237 : vector<16xi32>
        %not3A_239 = arith.constant dense<-1> : vector<16xi32>
        %not3A_240 = arith.xori %xor3A_238, %not3A_239 : vector<16xi32>
        %mul3A_241 = arith.constant 16 : i32
        %mul3A_242 = arith.muli %scan3A_206, %mul3A_241 : i32
        %swap3A_243 = arith.index_cast %mul3A_242 : i32 to index
        %swap3A_244 = tpu.vector_load %arg13[%swap3A_243] {strides = array<i32>} : memref<5008xi32, #tpu.memory_space<vmem>>, vector<16xi32>,
        tpu.vector_store %arg13[%swap3A_243], %not3A_240 {strides = array<i32>} : memref<5008xi32, #tpu.memory_space<vmem>>, vector<16xi32>,
        %shift_right_logical3A_245 = arith.constant 24 : i32
        %shift_right_logical3A_246 = vector.broadcast %shift_right_logical3A_245 : i32 to vector<16xi32>
        %shift_right_logical3A_247 = arith.shrui %not3A_240, %shift_right_logical3A_246 : vector<16xi32>
        tpu.vector_store_idx %arg18[%shift_right_logical3A_247], %broadcast_in_dim3A_0 {add = true} : memref<256xi32, #tpu.memory_space<vmem>>[vector<16xi32>], vector<16xi32>,
      }
      %scan3A_167 = arith.constant 62 : i32
      %add3A_168 = arith.constant 992 : i32
      %add3A_169 = vector.broadcast %add3A_168 : i32 to vector<16xi32>
      %add3A_170 = arith.addi %iota3A, %add3A_169 : vector<16xi32>
      %lt3A_171 = arith.constant 1000 : i32
      %lt3A_172 = vector.broadcast %lt3A_171 : i32 to vector<16xi32>
      %lt3A_173 = arith.cmpi slt, %add3A_170, %lt3A_172 : vector<16xi32>
      %jit3A_174 = arith.constant 0 : i32
      %broadcast_in_dim3A_175 = vector.broadcast %jit3A_174 : i32 to vector<16xi32>
      %select_n3A_176 = arith.select %lt3A_173, %add3A_170, %broadcast_in_dim3A_175 : vector<16xi1>, vector<16xi32>
      %gather3A = tpu.vector_load_idx %arg9[%select_n3A_176] : memref<1000xf32, #tpu.memory_space<vmem>>[vector<16xi32>], vector<16xf32>,
      %gather3A_177 = tpu.vector_load_idx %arg10[%select_n3A_176] : memref<1000xf32, #tpu.memory_space<vmem>>[vector<16xi32>], vector<16xf32>,
      %gather3A_178 = tpu.vector_load_idx %arg11[%select_n3A_176] : memref<1000xf32, #tpu.memory_space<vmem>>[vector<16xi32>], vector<16xf32>,
      %gather3A_179 = tpu.vector_load_idx %arg12[%select_n3A_176] : memref<1000xf32, #tpu.memory_space<vmem>>[vector<16xi32>], vector<16xf32>,
      %sub3A_180 = arith.subf %gather3A_178, %gather3A : vector<16xf32>
      %sub3A_181 = arith.subf %gather3A_179, %gather3A_177 : vector<16xf32>
      %mul3A = arith.mulf %sub3A_180, %sub3A_181 : vector<16xf32>
      %eq3A_182 = arith.constant 0.000000e+00 : f32
      %eq3A_183 = vector.broadcast %eq3A_182 : f32 to vector<16xf32>
      %eq3A_184 = arith.cmpf oeq, %mul3A, %eq3A_183 : vector<16xf32>
      %jit3A_185 = arith.constant 0.000000e+00 : f32
      %broadcast_in_dim3A_186 = vector.broadcast %jit3A_185 : f32 to vector<16xf32>
      %select_n3A_187 = arith.select %eq3A_184, %broadcast_in_dim3A_186, %mul3A : vector<16xi1>, vector<16xf32>
      %bitcast_convert_type3A = tpu.bitcast %select_n3A_187 : vector<16xf32> -> vector<16xi32>
      %shift_right_arithmetic3A = arith.constant 31 : i32
      %shift_right_arithmetic3A_188 = vector.broadcast %shift_right_arithmetic3A : i32 to vector<16xi32>
      %shift_right_arithmetic3A_189 = arith.shrsi %bitcast_convert_type3A, %shift_right_arithmetic3A_188 : vector<16xi32>
      %or3A = arith.constant -2147483648 : i32
      %or3A_190 = vector.broadcast %or3A : i32 to vector<16xi32>
      %or3A_191 = arith.ori %shift_right_arithmetic3A_189, %or3A_190 : vector<16xi32>
      %xor3A = arith.xori %bitcast_convert_type3A, %or3A_191 : vector<16xi32>
      %not3A = arith.constant dense<-1> : vector<16xi32>
      %not3A_192 = arith.xori %xor3A, %not3A : vector<16xi32>
      %jit3A_193 = arith.constant -1 : i32
      %broadcast_in_dim3A_194 = vector.broadcast %jit3A_193 : i32 to vector<16xi32>
      %select_n3A_195 = arith.select %lt3A_173, %not3A_192, %broadcast_in_dim3A_194 : vector<16xi1>, vector<16xi32>
      %swap3A_196 = arith.constant 992 : index
      %swap3A_197 = tpu.vector_load %arg13[%swap3A_196] {strides = array<i32>} : memref<5008xi32, #tpu.memory_space<vmem>>, vector<16xi32>,
      tpu.vector_store %arg13[%swap3A_196], %select_n3A_195 {strides = array<i32>} : memref<5008xi32, #tpu.memory_space<vmem>>, vector<16xi32>,
      %shift_right_logical3A = arith.constant 24 : i32
      %shift_right_logical3A_198 = vector.broadcast %shift_right_logical3A : i32 to vector<16xi32>
      %shift_right_logical3A_199 = arith.shrui %select_n3A_195, %shift_right_logical3A_198 : vector<16xi32>
      tpu.vector_store_idx %arg18[%shift_right_logical3A_199], %broadcast_in_dim3A_0 {add = true} : memref<256xi32, #tpu.memory_space<vmem>>[vector<16xi32>], vector<16xi32>,
      %scan3A_200 = arith.constant 0 : i32
      %scan3A_201 = arith.constant 63 : i32
      %scan3A_202 = arith.constant 250 : i32
      %scan3A_203 = arith.addi %scan3A_201, %scan3A_202 : i32
      %scan3A_204 = arith.constant 1 : i32
      scf.for %scan3A_206 = %scan3A_201 to %scan3A_203 step %scan3A_204  : i32 {
        %mul3A_207 = arith.constant 16 : i32
        %mul3A_208 = arith.muli %scan3A_206, %mul3A_207 : i32
        %swap3A_209 = arith.index_cast %mul3A_208 : i32 to index
        %swap3A_210 = tpu.vector_load %arg13[%swap3A_209] {strides = array<i32>} : memref<5008xi32, #tpu.memory_space<vmem>>, vector<16xi32>,
        tpu.vector_store %arg13[%swap3A_209], %broadcast_in_dim3A_4 {strides = array<i32>} : memref<5008xi32, #tpu.memory_space<vmem>>, vector<16xi32>,
      }
      %scan3A_205 = arith.constant 250 : i32
    } else {
    }
    %scan3A_16 = arith.constant 0 : i32
    %scan3A_17 = arith.constant 0 : i32
    %scan3A_18 = arith.constant 0 : i32
    %scan3A_19 = arith.constant 16 : i32
    %scan3A_20 = arith.addi %scan3A_18, %scan3A_19 : i32
    %scan3A_21 = arith.constant 1 : i32
    %scan3A_22:2 = scf.for %scan3A_151 = %scan3A_18 to %scan3A_20 step %scan3A_21 iter_args(%scan3A_152 = %scan3A_16, %scan3A_153 = %scan3A_17) -> (i32, i32)  : i32 {
      %mul3A = arith.constant 16 : i32
      %mul3A_154 = arith.muli %scan3A_151, %mul3A : i32
      %get3A = arith.index_cast %mul3A_154 : i32 to index
      %get3A_155 = tpu.vector_load %arg18[%get3A] {strides = array<i32>} : memref<256xi32, #tpu.memory_space<vmem>>, vector<16xi32>,
      %broadcast_in_dim3A_156 = arith.constant true
      %broadcast_in_dim3A_157 = vector.broadcast %broadcast_in_dim3A_156 : i1 to vector<16xi1>
      %masked_cumsum3A = tpu.scan <sum>, %get3A_155 masked %broadcast_in_dim3A_157 : vector<16xi32>, vector<16xi1> -> vector<16xi32>
      %add3A_158 = vector.broadcast %scan3A_152 : i32 to vector<16xi32>
      %add3A_159 = arith.addi %masked_cumsum3A, %add3A_158 : vector<16xi32>
      %lt3A_160 = arith.constant 1000 : i32
      %lt3A_161 = vector.broadcast %lt3A_160 : i32 to vector<16xi32>
      %lt3A_162 = arith.cmpi slt, %add3A_159, %lt3A_161 : vector<16xi32>
      %jit3A_163 = arith.constant 1 : i32
      %jit3A_164 = arith.constant 0 : i32
      %broadcast_in_dim3A_165 = vector.broadcast %jit3A_163 : i32 to vector<16xi32>
      %broadcast_in_dim3A_166 = vector.broadcast %jit3A_164 : i32 to vector<16xi32>
      %select_n3A_167 = arith.select %lt3A_162, %broadcast_in_dim3A_165, %broadcast_in_dim3A_166 : vector<16xi1>, vector<16xi32>
      %reduce_sum3A = arith.constant true
      %reduce_sum3A_168 = vector.broadcast %reduce_sum3A : i1 to vector<16xi1>
      %reduce_sum3A_169 = tpu.scan <sum>, %select_n3A_167 masked %reduce_sum3A_168 : vector<16xi32>, vector<16xi1> -> vector<16xi32>
      %reduce_sum3A_170 = vector.extract %reduce_sum3A_169[15] : i32 from vector<16xi32>
      %add3A_171 = arith.addi %scan3A_153, %reduce_sum3A_170 : i32
      %reduce_sum3A_172 = arith.constant true
      %reduce_sum3A_173 = vector.broadcast %reduce_sum3A_172 : i1 to vector<16xi1>
      %reduce_sum3A_174 = tpu.scan <sum>, %get3A_155 masked %reduce_sum3A_173 : vector<16xi32>, vector<16xi1> -> vector<16xi32>
      %reduce_sum3A_175 = vector.extract %reduce_sum3A_174[15] : i32 from vector<16xi32>
      %add3A_176 = arith.addi %scan3A_152, %reduce_sum3A_175 : i32
      scf.yield %add3A_176, %add3A_171 : i32, i32
    }
    %scan3A_23 = arith.constant 16 : i32
    %scan3A_24 = arith.constant 0 : i32
    %scan3A_25 = arith.constant 0 : i32
    %scan3A_26 = arith.constant 16 : i32
    %scan3A_27 = arith.addi %scan3A_25, %scan3A_26 : i32
    %scan3A_28 = arith.constant 1 : i32
    scf.for %scan3A_151 = %scan3A_25 to %scan3A_27 step %scan3A_28  : i32 {
      %mul3A = arith.constant 16 : i32
      %mul3A_152 = arith.muli %scan3A_151, %mul3A : i32
      %swap3A_153 = arith.index_cast %mul3A_152 : i32 to index
      %swap3A_154 = tpu.vector_load %arg18[%swap3A_153] {strides = array<i32>} : memref<256xi32, #tpu.memory_space<vmem>>, vector<16xi32>,
      tpu.vector_store %arg18[%swap3A_153], %broadcast_in_dim3A_2 {strides = array<i32>} : memref<256xi32, #tpu.memory_space<vmem>>, vector<16xi32>,
    }
    %scan3A_29 = arith.constant 16 : i32
    %scan3A_30 = arith.constant 0 : i32
    %scan3A_31 = arith.constant 0 : i32
    %scan3A_32 = arith.constant 313 : i32
    %scan3A_33 = arith.addi %scan3A_31, %scan3A_32 : i32
    %scan3A_34 = arith.constant 1 : i32
    %scan3A_35 = scf.for %scan3A_151 = %scan3A_31 to %scan3A_33 step %scan3A_34 iter_args(%scan3A_152 = %scan3A_30) -> (i32)  : i32 {
      %mul3A = arith.constant 16 : i32
      %mul3A_153 = arith.muli %scan3A_151, %mul3A : i32
      %get3A = arith.index_cast %mul3A_153 : i32 to index
      %get3A_154 = tpu.vector_load %arg13[%get3A] {strides = array<i32>} : memref<5008xi32, #tpu.memory_space<vmem>>, vector<16xi32>,
      %shift_right_logical3A = arith.constant 24 : i32
      %shift_right_logical3A_155 = vector.broadcast %shift_right_logical3A : i32 to vector<16xi32>
      %shift_right_logical3A_156 = arith.shrui %get3A_154, %shift_right_logical3A_155 : vector<16xi32>
      %le3A = vector.broadcast %scan3A_22#1 : i32 to vector<16xi32>
      %le3A_157 = arith.cmpi sle, %shift_right_logical3A_156, %le3A : vector<16xi32>
      %swap3A_158 = arith.index_cast %scan3A_152 : i32 to index
      %swap3A_159 = tpu.vector_load %arg15[%swap3A_158] masked %le3A_157 {strides = array<i32>} : memref<5040xi32, #tpu.memory_space<vmem>>, vector<16xi32>, vector<16xi1>
      tpu.vector_store %arg15[%swap3A_158], %get3A_154 masked %le3A_157 {strides = array<i32>} : memref<5040xi32, #tpu.memory_space<vmem>>, vector<16xi32>, vector<16xi1>
      %mul3A_160 = arith.constant 16 : i32
      %mul3A_161 = arith.muli %scan3A_151, %mul3A_160 : i32
      %add3A_162 = vector.broadcast %mul3A_161 : i32 to vector<16xi32>
      %add3A_163 = arith.addi %iota3A, %add3A_162 : vector<16xi32>
      %swap3A_164 = arith.index_cast %scan3A_152 : i32 to index
      %swap3A_165 = tpu.vector_load %arg17[%swap3A_164] masked %le3A_157 {strides = array<i32>} : memref<5040xi32, #tpu.memory_space<vmem>>, vector<16xi32>, vector<16xi1>
      tpu.vector_store %arg17[%swap3A_164], %add3A_163 masked %le3A_157 {strides = array<i32>} : memref<5040xi32, #tpu.memory_space<vmem>>, vector<16xi32>, vector<16xi1>
      %and3A_166 = arith.constant 255 : i32
      %and3A_167 = vector.broadcast %and3A_166 : i32 to vector<16xi32>
      %and3A_168 = arith.andi %get3A_154, %and3A_167 : vector<16xi32>
      tpu.vector_store_idx %arg18[%and3A_168], %broadcast_in_dim3A_0 masked %le3A_157 {add = true} : memref<256xi32, #tpu.memory_space<vmem>>[vector<16xi32>], vector<16xi32>, vector<16xi1>
      %all_reduce_population_count3A = tpu.all_reduce %le3A_157 {dim = 0 : i64, kind = #tpu.reduction_kind<sum>} : vector<16xi1> -> vector<16xi32>
      %slice3A = vector.extract_strided_slice %all_reduce_population_count3A {offsets = [0], sizes = [1], strides = [1]} : vector<16xi32> to vector<1xi32>
      %squeeze3A = vector.extract %slice3A[0] : i32 from vector<1xi32>
      %add3A_169 = arith.addi %scan3A_152, %squeeze3A : i32
      scf.yield %add3A_169 : i32
    }
    %scan3A_36 = arith.constant 313 : i32
    %swap3A = arith.index_cast %scan3A_35 : i32 to index
    %swap3A_37 = tpu.vector_load %arg15[%swap3A] {strides = array<i32>} : memref<5040xi32, #tpu.memory_space<vmem>>, vector<16xi32>,
    tpu.vector_store %arg15[%swap3A], %broadcast_in_dim3A_4 {strides = array<i32>} : memref<5040xi32, #tpu.memory_space<vmem>>, vector<16xi32>,
    %add3A = arith.constant 5008 : i32
    %add3A_38 = vector.broadcast %add3A : i32 to vector<16xi32>
    %add3A_39 = arith.addi %iota3A, %add3A_38 : vector<16xi32>
    %swap3A_40 = arith.index_cast %scan3A_35 : i32 to index
    %swap3A_41 = tpu.vector_load %arg17[%swap3A_40] {strides = array<i32>} : memref<5040xi32, #tpu.memory_space<vmem>>, vector<16xi32>,
    tpu.vector_store %arg17[%swap3A_40], %add3A_39 {strides = array<i32>} : memref<5040xi32, #tpu.memory_space<vmem>>, vector<16xi32>,
    %broadcast_in_dim3A_42 = arith.constant 255 : i32
    %broadcast_in_dim3A_43 = vector.broadcast %broadcast_in_dim3A_42 : i32 to vector<16xi32>
    %broadcast_in_dim3A_44 = arith.constant 16 : i32
    %broadcast_in_dim3A_45 = vector.broadcast %broadcast_in_dim3A_44 : i32 to vector<16xi32>
    %eq3A = arith.constant 0 : i32
    %eq3A_46 = vector.broadcast %eq3A : i32 to vector<16xi32>
    %eq3A_47 = arith.cmpi eq, %iota3A, %eq3A_46 : vector<16xi32>
    tpu.vector_store_idx %arg18[%broadcast_in_dim3A_43], %broadcast_in_dim3A_45 masked %eq3A_47 {add = true} : memref<256xi32, #tpu.memory_space<vmem>>[vector<16xi32>], vector<16xi32>, vector<16xi1>
    %jit3A = arith.constant 16 : i32
    %div3A = arith.divsi %scan3A_35, %jit3A : i32
    %sign3A = arith.constant 0 : i32
    %sign3A_48 = arith.cmpi sgt, %scan3A_35, %sign3A : i32
    %sign3A_49 = arith.extui %sign3A_48 : i1 to i32
    %sign3A_50 = arith.constant 0 : i32
    %sign3A_51 = arith.cmpi slt, %scan3A_35, %sign3A_50 : i32
    %sign3A_52 = arith.extui %sign3A_51 : i1 to i32
    %sign3A_53 = arith.subi %sign3A_49, %sign3A_52 : i32
    %sign3A_54 = arith.constant 0 : i32
    %sign3A_55 = arith.cmpi sgt, %jit3A, %sign3A_54 : i32
    %sign3A_56 = arith.extui %sign3A_55 : i1 to i32
    %sign3A_57 = arith.constant 0 : i32
    %sign3A_58 = arith.cmpi slt, %jit3A, %sign3A_57 : i32
    %sign3A_59 = arith.extui %sign3A_58 : i1 to i32
    %sign3A_60 = arith.subi %sign3A_56, %sign3A_59 : i32
    %ne3A = arith.cmpi ne, %sign3A_53, %sign3A_60 : i32
    %rem3A = arith.remsi %scan3A_35, %jit3A : i32
    %ne3A_61 = arith.constant 0 : i32
    %ne3A_62 = arith.cmpi ne, %rem3A, %ne3A_61 : i32
    %and3A = arith.andi %ne3A, %ne3A_62 : i1
    %sub3A = arith.constant 1 : i32
    %sub3A_63 = arith.subi %div3A, %sub3A : i32
    %select_n3A = arith.select %and3A, %sub3A_63, %div3A : i32
    %add3A_64 = arith.constant 1 : i32
    %add3A_65 = arith.addi %select_n3A, %add3A_64 : i32
    %scan3A_66 = arith.constant 0 : i32
    %scan3A_67 = arith.constant 0 : i32
    %scan3A_68 = arith.constant 16 : i32
    %scan3A_69 = arith.addi %scan3A_67, %scan3A_68 : i32
    %scan3A_70 = arith.constant 1 : i32
    scf.for %scan3A_151 = %scan3A_67 to %scan3A_69 step %scan3A_70  : i32 {
      %mul3A = arith.constant 16 : i32
      %mul3A_152 = arith.muli %scan3A_151, %mul3A : i32
      %swap3A_153 = arith.index_cast %mul3A_152 : i32 to index
      %swap3A_154 = tpu.vector_load %arg19[%swap3A_153] {strides = array<i32>} : memref<256xi32, #tpu.memory_space<vmem>>, vector<16xi32>,
      tpu.vector_store %arg19[%swap3A_153], %broadcast_in_dim3A_2 {strides = array<i32>} : memref<256xi32, #tpu.memory_space<vmem>>, vector<16xi32>,
    }
    %scan3A_71 = arith.constant 16 : i32
    %scan3A_72 = arith.constant 0 : i32
    %scan3A_73 = arith.constant 0 : i32
    %scan3A_74 = arith.constant 16 : i32
    %scan3A_75 = arith.addi %scan3A_73, %scan3A_74 : i32
    %scan3A_76 = arith.constant 1 : i32
    %scan3A_77 = scf.for %scan3A_151 = %scan3A_73 to %scan3A_75 step %scan3A_76 iter_args(%scan3A_152 = %scan3A_72) -> (i32)  : i32 {
      %mul3A = arith.constant 16 : i32
      %mul3A_153 = arith.muli %scan3A_151, %mul3A : i32
      %get3A = arith.index_cast %mul3A_153 : i32 to index
      %get3A_154 = tpu.vector_load %arg18[%get3A] {strides = array<i32>} : memref<256xi32, #tpu.memory_space<vmem>>, vector<16xi32>,
      %broadcast_in_dim3A_155 = arith.constant true
      %broadcast_in_dim3A_156 = vector.broadcast %broadcast_in_dim3A_155 : i1 to vector<16xi1>
      %masked_cumsum3A = tpu.scan <sum>, %get3A_154 masked %broadcast_in_dim3A_156 : vector<16xi32>, vector<16xi1> -> vector<16xi32>
      %sub3A_157 = arith.subi %masked_cumsum3A, %get3A_154 : vector<16xi32>
      %add3A_158 = vector.broadcast %scan3A_152 : i32 to vector<16xi32>
      %add3A_159 = arith.addi %sub3A_157, %add3A_158 : vector<16xi32>
      %mul3A_160 = arith.constant 16 : i32
      %mul3A_161 = arith.muli %scan3A_151, %mul3A_160 : i32
      %swap3A_162 = arith.index_cast %mul3A_161 : i32 to index
      %swap3A_163 = tpu.vector_load %arg18[%swap3A_162] {strides = array<i32>} : memref<256xi32, #tpu.memory_space<vmem>>, vector<16xi32>,
      tpu.vector_store %arg18[%swap3A_162], %add3A_159 {strides = array<i32>} : memref<256xi32, #tpu.memory_space<vmem>>, vector<16xi32>,
      %reduce_sum3A = arith.constant true
      %reduce_sum3A_164 = vector.broadcast %reduce_sum3A : i1 to vector<16xi1>
      %reduce_sum3A_165 = tpu.scan <sum>, %get3A_154 masked %reduce_sum3A_164 : vector<16xi32>, vector<16xi1> -> vector<16xi32>
      %reduce_sum3A_166 = vector.extract %reduce_sum3A_165[15] : i32 from vector<16xi32>
      %add3A_167 = arith.addi %scan3A_152, %reduce_sum3A_166 : i32
      scf.yield %add3A_167 : i32
    }
    %scan3A_78 = arith.constant 16 : i32
    %while3A = arith.constant 0 : i32
    %while3A_79 = arith.constant 0 : i32
    %while3A_80 = arith.subi %add3A_65, %while3A_79 : i32
    %while3A_81 = arith.addi %while3A_79, %while3A_80 : i32
    %while3A_82 = arith.constant 1 : i32
    %while3A_83 = arith.divsi %while3A_80, %while3A_82 : i32
    %while3A_84 = arith.muli %while3A_83, %while3A_82 : i32
    %while3A_85 = arith.addi %while3A_79, %while3A_84 : i32
    %while3A_86 = arith.constant 1 : i32
    scf.for %while3A_151 = %while3A_79 to %while3A_85 step %while3A_86  : i32 {
      %mul3A = arith.constant 16 : i32
      %mul3A_152 = arith.muli %while3A_151, %mul3A : i32
      %get3A = arith.index_cast %mul3A_152 : i32 to index
      %get3A_153 = tpu.vector_load %arg15[%get3A] {strides = array<i32>} : memref<5040xi32, #tpu.memory_space<vmem>>, vector<16xi32>,
      %mul3A_154 = arith.constant 16 : i32
      %mul3A_155 = arith.muli %while3A_151, %mul3A_154 : i32
      %get3A_156 = arith.index_cast %mul3A_155 : i32 to index
      %get3A_157 = tpu.vector_load %arg17[%get3A_156] {strides = array<i32>} : memref<5040xi32, #tpu.memory_space<vmem>>, vector<16xi32>,
      %shift_right_logical3A = arith.constant 0 : i32
      %shift_right_logical3A_158 = vector.broadcast %shift_right_logical3A : i32 to vector<16xi32>
      %shift_right_logical3A_159 = arith.shrui %get3A_153, %shift_right_logical3A_158 : vector<16xi32>
      %and3A_160 = arith.constant 255 : i32
      %and3A_161 = vector.broadcast %and3A_160 : i32 to vector<16xi32>
      %and3A_162 = arith.andi %shift_right_logical3A_159, %and3A_161 : vector<16xi32>
      %broadcast_in_dim3A_163 = arith.constant true
      %broadcast_in_dim3A_164 = vector.broadcast %broadcast_in_dim3A_163 : i1 to vector<16xi1>
      %unique3A, %unique3A_165 = tpu.scan_count mask(%broadcast_in_dim3A_164 : vector<16xi1>) value(%and3A_162 : vector<16xi32>) : vector<16xi1>, vector<16xi32>
      %gather3A = tpu.vector_load_idx %arg18[%and3A_162] : memref<256xi32, #tpu.memory_space<vmem>>[vector<16xi32>], vector<16xi32>,
      %add3A_166 = arith.addi %gather3A, %unique3A_165 : vector<16xi32>
      %sub3A_167 = arith.constant 1 : i32
      %sub3A_168 = vector.broadcast %sub3A_167 : i32 to vector<16xi32>
      %sub3A_169 = arith.subi %add3A_166, %sub3A_168 : vector<16xi32>
      tpu.vector_store_idx %arg14[%sub3A_169], %get3A_153 : memref<5040xi32, #tpu.memory_space<vmem>>[vector<16xi32>], vector<16xi32>,
      tpu.vector_store_idx %arg16[%sub3A_169], %get3A_157 : memref<5040xi32, #tpu.memory_space<vmem>>[vector<16xi32>], vector<16xi32>,
      tpu.vector_store_idx %arg18[%and3A_162], %broadcast_in_dim3A_0 {add = true} : memref<256xi32, #tpu.memory_space<vmem>>[vector<16xi32>], vector<16xi32>,
      %shift_right_logical3A_170 = arith.constant 8 : i32
      %shift_right_logical3A_171 = vector.broadcast %shift_right_logical3A_170 : i32 to vector<16xi32>
      %shift_right_logical3A_172 = arith.shrui %get3A_153, %shift_right_logical3A_171 : vector<16xi32>
      %and3A_173 = arith.constant 255 : i32
      %and3A_174 = vector.broadcast %and3A_173 : i32 to vector<16xi32>
      %and3A_175 = arith.andi %shift_right_logical3A_172, %and3A_174 : vector<16xi32>
      tpu.vector_store_idx %arg19[%and3A_175], %broadcast_in_dim3A_0 {add = true} : memref<256xi32, #tpu.memory_space<vmem>>[vector<16xi32>], vector<16xi32>,
    }
    %while3A_87 = arith.constant 1 : i32
    scf.for %while3A_151 = %while3A_85 to %while3A_81 step %while3A_87  : i32 {
      %mul3A = arith.constant 16 : i32
      %mul3A_152 = arith.muli %while3A_151, %mul3A : i32
      %get3A = arith.index_cast %mul3A_152 : i32 to index
      %get3A_153 = tpu.vector_load %arg15[%get3A] {strides = array<i32>} : memref<5040xi32, #tpu.memory_space<vmem>>, vector<16xi32>,
      %mul3A_154 = arith.constant 16 : i32
      %mul3A_155 = arith.muli %while3A_151, %mul3A_154 : i32
      %get3A_156 = arith.index_cast %mul3A_155 : i32 to index
      %get3A_157 = tpu.vector_load %arg17[%get3A_156] {strides = array<i32>} : memref<5040xi32, #tpu.memory_space<vmem>>, vector<16xi32>,
      %shift_right_logical3A = arith.constant 0 : i32
      %shift_right_logical3A_158 = vector.broadcast %shift_right_logical3A : i32 to vector<16xi32>
      %shift_right_logical3A_159 = arith.shrui %get3A_153, %shift_right_logical3A_158 : vector<16xi32>
      %and3A_160 = arith.constant 255 : i32
      %and3A_161 = vector.broadcast %and3A_160 : i32 to vector<16xi32>
      %and3A_162 = arith.andi %shift_right_logical3A_159, %and3A_161 : vector<16xi32>
      %broadcast_in_dim3A_163 = arith.constant true
      %broadcast_in_dim3A_164 = vector.broadcast %broadcast_in_dim3A_163 : i1 to vector<16xi1>
      %unique3A, %unique3A_165 = tpu.scan_count mask(%broadcast_in_dim3A_164 : vector<16xi1>) value(%and3A_162 : vector<16xi32>) : vector<16xi1>, vector<16xi32>
      %gather3A = tpu.vector_load_idx %arg18[%and3A_162] : memref<256xi32, #tpu.memory_space<vmem>>[vector<16xi32>], vector<16xi32>,
      %add3A_166 = arith.addi %gather3A, %unique3A_165 : vector<16xi32>
      %sub3A_167 = arith.constant 1 : i32
      %sub3A_168 = vector.broadcast %sub3A_167 : i32 to vector<16xi32>
      %sub3A_169 = arith.subi %add3A_166, %sub3A_168 : vector<16xi32>
      tpu.vector_store_idx %arg14[%sub3A_169], %get3A_153 : memref<5040xi32, #tpu.memory_space<vmem>>[vector<16xi32>], vector<16xi32>,
      tpu.vector_store_idx %arg16[%sub3A_169], %get3A_157 : memref<5040xi32, #tpu.memory_space<vmem>>[vector<16xi32>], vector<16xi32>,
      tpu.vector_store_idx %arg18[%and3A_162], %broadcast_in_dim3A_0 {add = true} : memref<256xi32, #tpu.memory_space<vmem>>[vector<16xi32>], vector<16xi32>,
      %shift_right_logical3A_170 = arith.constant 8 : i32
      %shift_right_logical3A_171 = vector.broadcast %shift_right_logical3A_170 : i32 to vector<16xi32>
      %shift_right_logical3A_172 = arith.shrui %get3A_153, %shift_right_logical3A_171 : vector<16xi32>
      %and3A_173 = arith.constant 255 : i32
      %and3A_174 = vector.broadcast %and3A_173 : i32 to vector<16xi32>
      %and3A_175 = arith.andi %shift_right_logical3A_172, %and3A_174 : vector<16xi32>
      tpu.vector_store_idx %arg19[%and3A_175], %broadcast_in_dim3A_0 {add = true} : memref<256xi32, #tpu.memory_space<vmem>>[vector<16xi32>], vector<16xi32>,
    }
    %scan3A_88 = arith.constant 0 : i32
    %scan3A_89 = arith.constant 0 : i32
    %scan3A_90 = arith.constant 16 : i32
    %scan3A_91 = arith.addi %scan3A_89, %scan3A_90 : i32
    %scan3A_92 = arith.constant 1 : i32
    scf.for %scan3A_151 = %scan3A_89 to %scan3A_91 step %scan3A_92  : i32 {
      %mul3A = arith.constant 16 : i32
      %mul3A_152 = arith.muli %scan3A_151, %mul3A : i32
      %swap3A_153 = arith.index_cast %mul3A_152 : i32 to index
      %swap3A_154 = tpu.vector_load %arg18[%swap3A_153] {strides = array<i32>} : memref<256xi32, #tpu.memory_space<vmem>>, vector<16xi32>,
      tpu.vector_store %arg18[%swap3A_153], %broadcast_in_dim3A_2 {strides = array<i32>} : memref<256xi32, #tpu.memory_space<vmem>>, vector<16xi32>,
    }
    %scan3A_93 = arith.constant 16 : i32
    %scan3A_94 = arith.constant 0 : i32
    %scan3A_95 = arith.constant 0 : i32
    %scan3A_96 = arith.constant 16 : i32
    %scan3A_97 = arith.addi %scan3A_95, %scan3A_96 : i32
    %scan3A_98 = arith.constant 1 : i32
    %scan3A_99 = scf.for %scan3A_151 = %scan3A_95 to %scan3A_97 step %scan3A_98 iter_args(%scan3A_152 = %scan3A_94) -> (i32)  : i32 {
      %mul3A = arith.constant 16 : i32
      %mul3A_153 = arith.muli %scan3A_151, %mul3A : i32
      %get3A = arith.index_cast %mul3A_153 : i32 to index
      %get3A_154 = tpu.vector_load %arg19[%get3A] {strides = array<i32>} : memref<256xi32, #tpu.memory_space<vmem>>, vector<16xi32>,
      %broadcast_in_dim3A_155 = arith.constant true
      %broadcast_in_dim3A_156 = vector.broadcast %broadcast_in_dim3A_155 : i1 to vector<16xi1>
      %masked_cumsum3A = tpu.scan <sum>, %get3A_154 masked %broadcast_in_dim3A_156 : vector<16xi32>, vector<16xi1> -> vector<16xi32>
      %sub3A_157 = arith.subi %masked_cumsum3A, %get3A_154 : vector<16xi32>
      %add3A_158 = vector.broadcast %scan3A_152 : i32 to vector<16xi32>
      %add3A_159 = arith.addi %sub3A_157, %add3A_158 : vector<16xi32>
      %mul3A_160 = arith.constant 16 : i32
      %mul3A_161 = arith.muli %scan3A_151, %mul3A_160 : i32
      %swap3A_162 = arith.index_cast %mul3A_161 : i32 to index
      %swap3A_163 = tpu.vector_load %arg19[%swap3A_162] {strides = array<i32>} : memref<256xi32, #tpu.memory_space<vmem>>, vector<16xi32>,
      tpu.vector_store %arg19[%swap3A_162], %add3A_159 {strides = array<i32>} : memref<256xi32, #tpu.memory_space<vmem>>, vector<16xi32>,
      %reduce_sum3A = arith.constant true
      %reduce_sum3A_164 = vector.broadcast %reduce_sum3A : i1 to vector<16xi1>
      %reduce_sum3A_165 = tpu.scan <sum>, %get3A_154 masked %reduce_sum3A_164 : vector<16xi32>, vector<16xi1> -> vector<16xi32>
      %reduce_sum3A_166 = vector.extract %reduce_sum3A_165[15] : i32 from vector<16xi32>
      %add3A_167 = arith.addi %scan3A_152, %reduce_sum3A_166 : i32
      scf.yield %add3A_167 : i32
    }
    %scan3A_100 = arith.constant 16 : i32
    %while3A_101 = arith.constant 0 : i32
    %while3A_102 = arith.constant 0 : i32
    %while3A_103 = arith.subi %add3A_65, %while3A_102 : i32
    %while3A_104 = arith.addi %while3A_102, %while3A_103 : i32
    %while3A_105 = arith.constant 1 : i32
    %while3A_106 = arith.divsi %while3A_103, %while3A_105 : i32
    %while3A_107 = arith.muli %while3A_106, %while3A_105 : i32
    %while3A_108 = arith.addi %while3A_102, %while3A_107 : i32
    %while3A_109 = arith.constant 1 : i32
    scf.for %while3A_151 = %while3A_102 to %while3A_108 step %while3A_109  : i32 {
      %mul3A = arith.constant 16 : i32
      %mul3A_152 = arith.muli %while3A_151, %mul3A : i32
      %get3A = arith.index_cast %mul3A_152 : i32 to index
      %get3A_153 = tpu.vector_load %arg14[%get3A] {strides = array<i32>} : memref<5040xi32, #tpu.memory_space<vmem>>, vector<16xi32>,
      %mul3A_154 = arith.constant 16 : i32
      %mul3A_155 = arith.muli %while3A_151, %mul3A_154 : i32
      %get3A_156 = arith.index_cast %mul3A_155 : i32 to index
      %get3A_157 = tpu.vector_load %arg16[%get3A_156] {strides = array<i32>} : memref<5040xi32, #tpu.memory_space<vmem>>, vector<16xi32>,
      %shift_right_logical3A = arith.constant 8 : i32
      %shift_right_logical3A_158 = vector.broadcast %shift_right_logical3A : i32 to vector<16xi32>
      %shift_right_logical3A_159 = arith.shrui %get3A_153, %shift_right_logical3A_158 : vector<16xi32>
      %and3A_160 = arith.constant 255 : i32
      %and3A_161 = vector.broadcast %and3A_160 : i32 to vector<16xi32>
      %and3A_162 = arith.andi %shift_right_logical3A_159, %and3A_161 : vector<16xi32>
      %broadcast_in_dim3A_163 = arith.constant true
      %broadcast_in_dim3A_164 = vector.broadcast %broadcast_in_dim3A_163 : i1 to vector<16xi1>
      %unique3A, %unique3A_165 = tpu.scan_count mask(%broadcast_in_dim3A_164 : vector<16xi1>) value(%and3A_162 : vector<16xi32>) : vector<16xi1>, vector<16xi32>
      %gather3A = tpu.vector_load_idx %arg19[%and3A_162] : memref<256xi32, #tpu.memory_space<vmem>>[vector<16xi32>], vector<16xi32>,
      %add3A_166 = arith.addi %gather3A, %unique3A_165 : vector<16xi32>
      %sub3A_167 = arith.constant 1 : i32
      %sub3A_168 = vector.broadcast %sub3A_167 : i32 to vector<16xi32>
      %sub3A_169 = arith.subi %add3A_166, %sub3A_168 : vector<16xi32>
      tpu.vector_store_idx %arg15[%sub3A_169], %get3A_153 : memref<5040xi32, #tpu.memory_space<vmem>>[vector<16xi32>], vector<16xi32>,
      tpu.vector_store_idx %arg17[%sub3A_169], %get3A_157 : memref<5040xi32, #tpu.memory_space<vmem>>[vector<16xi32>], vector<16xi32>,
      tpu.vector_store_idx %arg19[%and3A_162], %broadcast_in_dim3A_0 {add = true} : memref<256xi32, #tpu.memory_space<vmem>>[vector<16xi32>], vector<16xi32>,
      %shift_right_logical3A_170 = arith.constant 16 : i32
      %shift_right_logical3A_171 = vector.broadcast %shift_right_logical3A_170 : i32 to vector<16xi32>
      %shift_right_logical3A_172 = arith.shrui %get3A_153, %shift_right_logical3A_171 : vector<16xi32>
      %and3A_173 = arith.constant 255 : i32
      %and3A_174 = vector.broadcast %and3A_173 : i32 to vector<16xi32>
      %and3A_175 = arith.andi %shift_right_logical3A_172, %and3A_174 : vector<16xi32>
      tpu.vector_store_idx %arg18[%and3A_175], %broadcast_in_dim3A_0 {add = true} : memref<256xi32, #tpu.memory_space<vmem>>[vector<16xi32>], vector<16xi32>,
    }
    %while3A_110 = arith.constant 1 : i32
    scf.for %while3A_151 = %while3A_108 to %while3A_104 step %while3A_110  : i32 {
      %mul3A = arith.constant 16 : i32
      %mul3A_152 = arith.muli %while3A_151, %mul3A : i32
      %get3A = arith.index_cast %mul3A_152 : i32 to index
      %get3A_153 = tpu.vector_load %arg14[%get3A] {strides = array<i32>} : memref<5040xi32, #tpu.memory_space<vmem>>, vector<16xi32>,
      %mul3A_154 = arith.constant 16 : i32
      %mul3A_155 = arith.muli %while3A_151, %mul3A_154 : i32
      %get3A_156 = arith.index_cast %mul3A_155 : i32 to index
      %get3A_157 = tpu.vector_load %arg16[%get3A_156] {strides = array<i32>} : memref<5040xi32, #tpu.memory_space<vmem>>, vector<16xi32>,
      %shift_right_logical3A = arith.constant 8 : i32
      %shift_right_logical3A_158 = vector.broadcast %shift_right_logical3A : i32 to vector<16xi32>
      %shift_right_logical3A_159 = arith.shrui %get3A_153, %shift_right_logical3A_158 : vector<16xi32>
      %and3A_160 = arith.constant 255 : i32
      %and3A_161 = vector.broadcast %and3A_160 : i32 to vector<16xi32>
      %and3A_162 = arith.andi %shift_right_logical3A_159, %and3A_161 : vector<16xi32>
      %broadcast_in_dim3A_163 = arith.constant true
      %broadcast_in_dim3A_164 = vector.broadcast %broadcast_in_dim3A_163 : i1 to vector<16xi1>
      %unique3A, %unique3A_165 = tpu.scan_count mask(%broadcast_in_dim3A_164 : vector<16xi1>) value(%and3A_162 : vector<16xi32>) : vector<16xi1>, vector<16xi32>
      %gather3A = tpu.vector_load_idx %arg19[%and3A_162] : memref<256xi32, #tpu.memory_space<vmem>>[vector<16xi32>], vector<16xi32>,
      %add3A_166 = arith.addi %gather3A, %unique3A_165 : vector<16xi32>
      %sub3A_167 = arith.constant 1 : i32
      %sub3A_168 = vector.broadcast %sub3A_167 : i32 to vector<16xi32>
      %sub3A_169 = arith.subi %add3A_166, %sub3A_168 : vector<16xi32>
      tpu.vector_store_idx %arg15[%sub3A_169], %get3A_153 : memref<5040xi32, #tpu.memory_space<vmem>>[vector<16xi32>], vector<16xi32>,
      tpu.vector_store_idx %arg17[%sub3A_169], %get3A_157 : memref<5040xi32, #tpu.memory_space<vmem>>[vector<16xi32>], vector<16xi32>,
      tpu.vector_store_idx %arg19[%and3A_162], %broadcast_in_dim3A_0 {add = true} : memref<256xi32, #tpu.memory_space<vmem>>[vector<16xi32>], vector<16xi32>,
      %shift_right_logical3A_170 = arith.constant 16 : i32
      %shift_right_logical3A_171 = vector.broadcast %shift_right_logical3A_170 : i32 to vector<16xi32>
      %shift_right_logical3A_172 = arith.shrui %get3A_153, %shift_right_logical3A_171 : vector<16xi32>
      %and3A_173 = arith.constant 255 : i32
      %and3A_174 = vector.broadcast %and3A_173 : i32 to vector<16xi32>
      %and3A_175 = arith.andi %shift_right_logical3A_172, %and3A_174 : vector<16xi32>
      tpu.vector_store_idx %arg18[%and3A_175], %broadcast_in_dim3A_0 {add = true} : memref<256xi32, #tpu.memory_space<vmem>>[vector<16xi32>], vector<16xi32>,
    }
    %scan3A_111 = arith.constant 0 : i32
    %scan3A_112 = arith.constant 0 : i32
    %scan3A_113 = arith.constant 16 : i32
    %scan3A_114 = arith.addi %scan3A_112, %scan3A_113 : i32
    %scan3A_115 = arith.constant 1 : i32
    scf.for %scan3A_151 = %scan3A_112 to %scan3A_114 step %scan3A_115  : i32 {
      %mul3A = arith.constant 16 : i32
      %mul3A_152 = arith.muli %scan3A_151, %mul3A : i32
      %swap3A_153 = arith.index_cast %mul3A_152 : i32 to index
      %swap3A_154 = tpu.vector_load %arg19[%swap3A_153] {strides = array<i32>} : memref<256xi32, #tpu.memory_space<vmem>>, vector<16xi32>,
      tpu.vector_store %arg19[%swap3A_153], %broadcast_in_dim3A_2 {strides = array<i32>} : memref<256xi32, #tpu.memory_space<vmem>>, vector<16xi32>,
    }
    %scan3A_116 = arith.constant 16 : i32
    %scan3A_117 = arith.constant 0 : i32
    %scan3A_118 = arith.constant 0 : i32
    %scan3A_119 = arith.constant 16 : i32
    %scan3A_120 = arith.addi %scan3A_118, %scan3A_119 : i32
    %scan3A_121 = arith.constant 1 : i32
    %scan3A_122 = scf.for %scan3A_151 = %scan3A_118 to %scan3A_120 step %scan3A_121 iter_args(%scan3A_152 = %scan3A_117) -> (i32)  : i32 {
      %mul3A = arith.constant 16 : i32
      %mul3A_153 = arith.muli %scan3A_151, %mul3A : i32
      %get3A = arith.index_cast %mul3A_153 : i32 to index
      %get3A_154 = tpu.vector_load %arg18[%get3A] {strides = array<i32>} : memref<256xi32, #tpu.memory_space<vmem>>, vector<16xi32>,
      %broadcast_in_dim3A_155 = arith.constant true
      %broadcast_in_dim3A_156 = vector.broadcast %broadcast_in_dim3A_155 : i1 to vector<16xi1>
      %masked_cumsum3A = tpu.scan <sum>, %get3A_154 masked %broadcast_in_dim3A_156 : vector<16xi32>, vector<16xi1> -> vector<16xi32>
      %sub3A_157 = arith.subi %masked_cumsum3A, %get3A_154 : vector<16xi32>
      %add3A_158 = vector.broadcast %scan3A_152 : i32 to vector<16xi32>
      %add3A_159 = arith.addi %sub3A_157, %add3A_158 : vector<16xi32>
      %mul3A_160 = arith.constant 16 : i32
      %mul3A_161 = arith.muli %scan3A_151, %mul3A_160 : i32
      %swap3A_162 = arith.index_cast %mul3A_161 : i32 to index
      %swap3A_163 = tpu.vector_load %arg18[%swap3A_162] {strides = array<i32>} : memref<256xi32, #tpu.memory_space<vmem>>, vector<16xi32>,
      tpu.vector_store %arg18[%swap3A_162], %add3A_159 {strides = array<i32>} : memref<256xi32, #tpu.memory_space<vmem>>, vector<16xi32>,
      %reduce_sum3A = arith.constant true
      %reduce_sum3A_164 = vector.broadcast %reduce_sum3A : i1 to vector<16xi1>
      %reduce_sum3A_165 = tpu.scan <sum>, %get3A_154 masked %reduce_sum3A_164 : vector<16xi32>, vector<16xi1> -> vector<16xi32>
      %reduce_sum3A_166 = vector.extract %reduce_sum3A_165[15] : i32 from vector<16xi32>
      %add3A_167 = arith.addi %scan3A_152, %reduce_sum3A_166 : i32
      scf.yield %add3A_167 : i32
    }
    %scan3A_123 = arith.constant 16 : i32
    %while3A_124 = arith.constant 0 : i32
    %while3A_125 = arith.constant 0 : i32
    %while3A_126 = arith.subi %add3A_65, %while3A_125 : i32
    %while3A_127 = arith.addi %while3A_125, %while3A_126 : i32
    %while3A_128 = arith.constant 1 : i32
    %while3A_129 = arith.divsi %while3A_126, %while3A_128 : i32
    %while3A_130 = arith.muli %while3A_129, %while3A_128 : i32
    %while3A_131 = arith.addi %while3A_125, %while3A_130 : i32
    %while3A_132 = arith.constant 1 : i32
    scf.for %while3A_151 = %while3A_125 to %while3A_131 step %while3A_132  : i32 {
      %mul3A = arith.constant 16 : i32
      %mul3A_152 = arith.muli %while3A_151, %mul3A : i32
      %get3A = arith.index_cast %mul3A_152 : i32 to index
      %get3A_153 = tpu.vector_load %arg15[%get3A] {strides = array<i32>} : memref<5040xi32, #tpu.memory_space<vmem>>, vector<16xi32>,
      %mul3A_154 = arith.constant 16 : i32
      %mul3A_155 = arith.muli %while3A_151, %mul3A_154 : i32
      %get3A_156 = arith.index_cast %mul3A_155 : i32 to index
      %get3A_157 = tpu.vector_load %arg17[%get3A_156] {strides = array<i32>} : memref<5040xi32, #tpu.memory_space<vmem>>, vector<16xi32>,
      %shift_right_logical3A = arith.constant 16 : i32
      %shift_right_logical3A_158 = vector.broadcast %shift_right_logical3A : i32 to vector<16xi32>
      %shift_right_logical3A_159 = arith.shrui %get3A_153, %shift_right_logical3A_158 : vector<16xi32>
      %and3A_160 = arith.constant 255 : i32
      %and3A_161 = vector.broadcast %and3A_160 : i32 to vector<16xi32>
      %and3A_162 = arith.andi %shift_right_logical3A_159, %and3A_161 : vector<16xi32>
      %broadcast_in_dim3A_163 = arith.constant true
      %broadcast_in_dim3A_164 = vector.broadcast %broadcast_in_dim3A_163 : i1 to vector<16xi1>
      %unique3A, %unique3A_165 = tpu.scan_count mask(%broadcast_in_dim3A_164 : vector<16xi1>) value(%and3A_162 : vector<16xi32>) : vector<16xi1>, vector<16xi32>
      %gather3A = tpu.vector_load_idx %arg18[%and3A_162] : memref<256xi32, #tpu.memory_space<vmem>>[vector<16xi32>], vector<16xi32>,
      %add3A_166 = arith.addi %gather3A, %unique3A_165 : vector<16xi32>
      %sub3A_167 = arith.constant 1 : i32
      %sub3A_168 = vector.broadcast %sub3A_167 : i32 to vector<16xi32>
      %sub3A_169 = arith.subi %add3A_166, %sub3A_168 : vector<16xi32>
      tpu.vector_store_idx %arg14[%sub3A_169], %get3A_153 : memref<5040xi32, #tpu.memory_space<vmem>>[vector<16xi32>], vector<16xi32>,
      tpu.vector_store_idx %arg16[%sub3A_169], %get3A_157 : memref<5040xi32, #tpu.memory_space<vmem>>[vector<16xi32>], vector<16xi32>,
      tpu.vector_store_idx %arg18[%and3A_162], %broadcast_in_dim3A_0 {add = true} : memref<256xi32, #tpu.memory_space<vmem>>[vector<16xi32>], vector<16xi32>,
      %shift_right_logical3A_170 = arith.constant 24 : i32
      %shift_right_logical3A_171 = vector.broadcast %shift_right_logical3A_170 : i32 to vector<16xi32>
      %shift_right_logical3A_172 = arith.shrui %get3A_153, %shift_right_logical3A_171 : vector<16xi32>
      %and3A_173 = arith.constant 255 : i32
      %and3A_174 = vector.broadcast %and3A_173 : i32 to vector<16xi32>
      %and3A_175 = arith.andi %shift_right_logical3A_172, %and3A_174 : vector<16xi32>
      tpu.vector_store_idx %arg19[%and3A_175], %broadcast_in_dim3A_0 {add = true} : memref<256xi32, #tpu.memory_space<vmem>>[vector<16xi32>], vector<16xi32>,
    }
    %while3A_133 = arith.constant 1 : i32
    scf.for %while3A_151 = %while3A_131 to %while3A_127 step %while3A_133  : i32 {
      %mul3A = arith.constant 16 : i32
      %mul3A_152 = arith.muli %while3A_151, %mul3A : i32
      %get3A = arith.index_cast %mul3A_152 : i32 to index
      %get3A_153 = tpu.vector_load %arg15[%get3A] {strides = array<i32>} : memref<5040xi32, #tpu.memory_space<vmem>>, vector<16xi32>,
      %mul3A_154 = arith.constant 16 : i32
      %mul3A_155 = arith.muli %while3A_151, %mul3A_154 : i32
      %get3A_156 = arith.index_cast %mul3A_155 : i32 to index
      %get3A_157 = tpu.vector_load %arg17[%get3A_156] {strides = array<i32>} : memref<5040xi32, #tpu.memory_space<vmem>>, vector<16xi32>,
      %shift_right_logical3A = arith.constant 16 : i32
      %shift_right_logical3A_158 = vector.broadcast %shift_right_logical3A : i32 to vector<16xi32>
      %shift_right_logical3A_159 = arith.shrui %get3A_153, %shift_right_logical3A_158 : vector<16xi32>
      %and3A_160 = arith.constant 255 : i32
      %and3A_161 = vector.broadcast %and3A_160 : i32 to vector<16xi32>
      %and3A_162 = arith.andi %shift_right_logical3A_159, %and3A_161 : vector<16xi32>
      %broadcast_in_dim3A_163 = arith.constant true
      %broadcast_in_dim3A_164 = vector.broadcast %broadcast_in_dim3A_163 : i1 to vector<16xi1>
      %unique3A, %unique3A_165 = tpu.scan_count mask(%broadcast_in_dim3A_164 : vector<16xi1>) value(%and3A_162 : vector<16xi32>) : vector<16xi1>, vector<16xi32>
      %gather3A = tpu.vector_load_idx %arg18[%and3A_162] : memref<256xi32, #tpu.memory_space<vmem>>[vector<16xi32>], vector<16xi32>,
      %add3A_166 = arith.addi %gather3A, %unique3A_165 : vector<16xi32>
      %sub3A_167 = arith.constant 1 : i32
      %sub3A_168 = vector.broadcast %sub3A_167 : i32 to vector<16xi32>
      %sub3A_169 = arith.subi %add3A_166, %sub3A_168 : vector<16xi32>
      tpu.vector_store_idx %arg14[%sub3A_169], %get3A_153 : memref<5040xi32, #tpu.memory_space<vmem>>[vector<16xi32>], vector<16xi32>,
      tpu.vector_store_idx %arg16[%sub3A_169], %get3A_157 : memref<5040xi32, #tpu.memory_space<vmem>>[vector<16xi32>], vector<16xi32>,
      tpu.vector_store_idx %arg18[%and3A_162], %broadcast_in_dim3A_0 {add = true} : memref<256xi32, #tpu.memory_space<vmem>>[vector<16xi32>], vector<16xi32>,
      %shift_right_logical3A_170 = arith.constant 24 : i32
      %shift_right_logical3A_171 = vector.broadcast %shift_right_logical3A_170 : i32 to vector<16xi32>
      %shift_right_logical3A_172 = arith.shrui %get3A_153, %shift_right_logical3A_171 : vector<16xi32>
      %and3A_173 = arith.constant 255 : i32
      %and3A_174 = vector.broadcast %and3A_173 : i32 to vector<16xi32>
      %and3A_175 = arith.andi %shift_right_logical3A_172, %and3A_174 : vector<16xi32>
      tpu.vector_store_idx %arg19[%and3A_175], %broadcast_in_dim3A_0 {add = true} : memref<256xi32, #tpu.memory_space<vmem>>[vector<16xi32>], vector<16xi32>,
    }
    %scan3A_134 = arith.constant 0 : i32
    %scan3A_135 = arith.constant 0 : i32
    %scan3A_136 = arith.constant 16 : i32
    %scan3A_137 = arith.addi %scan3A_135, %scan3A_136 : i32
    %scan3A_138 = arith.constant 1 : i32
    %scan3A_139 = scf.for %scan3A_151 = %scan3A_135 to %scan3A_137 step %scan3A_138 iter_args(%scan3A_152 = %scan3A_134) -> (i32)  : i32 {
      %mul3A = arith.constant 16 : i32
      %mul3A_153 = arith.muli %scan3A_151, %mul3A : i32
      %get3A = arith.index_cast %mul3A_153 : i32 to index
      %get3A_154 = tpu.vector_load %arg19[%get3A] {strides = array<i32>} : memref<256xi32, #tpu.memory_space<vmem>>, vector<16xi32>,
      %broadcast_in_dim3A_155 = arith.constant true
      %broadcast_in_dim3A_156 = vector.broadcast %broadcast_in_dim3A_155 : i1 to vector<16xi1>
      %masked_cumsum3A = tpu.scan <sum>, %get3A_154 masked %broadcast_in_dim3A_156 : vector<16xi32>, vector<16xi1> -> vector<16xi32>
      %sub3A_157 = arith.subi %masked_cumsum3A, %get3A_154 : vector<16xi32>
      %add3A_158 = vector.broadcast %scan3A_152 : i32 to vector<16xi32>
      %add3A_159 = arith.addi %sub3A_157, %add3A_158 : vector<16xi32>
      %mul3A_160 = arith.constant 16 : i32
      %mul3A_161 = arith.muli %scan3A_151, %mul3A_160 : i32
      %swap3A_162 = arith.index_cast %mul3A_161 : i32 to index
      %swap3A_163 = tpu.vector_load %arg19[%swap3A_162] {strides = array<i32>} : memref<256xi32, #tpu.memory_space<vmem>>, vector<16xi32>,
      tpu.vector_store %arg19[%swap3A_162], %add3A_159 {strides = array<i32>} : memref<256xi32, #tpu.memory_space<vmem>>, vector<16xi32>,
      %reduce_sum3A = arith.constant true
      %reduce_sum3A_164 = vector.broadcast %reduce_sum3A : i1 to vector<16xi1>
      %reduce_sum3A_165 = tpu.scan <sum>, %get3A_154 masked %reduce_sum3A_164 : vector<16xi32>, vector<16xi1> -> vector<16xi32>
      %reduce_sum3A_166 = vector.extract %reduce_sum3A_165[15] : i32 from vector<16xi32>
      %add3A_167 = arith.addi %scan3A_152, %reduce_sum3A_166 : i32
      scf.yield %add3A_167 : i32
    }
    %scan3A_140 = arith.constant 16 : i32
    %while3A_141 = arith.constant 0 : i32
    %while3A_142 = arith.constant 0 : i32
    %while3A_143 = arith.subi %add3A_65, %while3A_142 : i32
    %while3A_144 = arith.addi %while3A_142, %while3A_143 : i32
    %while3A_145 = arith.constant 1 : i32
    %while3A_146 = arith.divsi %while3A_143, %while3A_145 : i32
    %while3A_147 = arith.muli %while3A_146, %while3A_145 : i32
    %while3A_148 = arith.addi %while3A_142, %while3A_147 : i32
    %while3A_149 = arith.constant 1 : i32
    scf.for %while3A_151 = %while3A_142 to %while3A_148 step %while3A_149  : i32 {
      %mul3A = arith.constant 16 : i32
      %mul3A_152 = arith.muli %while3A_151, %mul3A : i32
      %get3A = arith.index_cast %mul3A_152 : i32 to index
      %get3A_153 = tpu.vector_load %arg14[%get3A] {strides = array<i32>} : memref<5040xi32, #tpu.memory_space<vmem>>, vector<16xi32>,
      %mul3A_154 = arith.constant 16 : i32
      %mul3A_155 = arith.muli %while3A_151, %mul3A_154 : i32
      %get3A_156 = arith.index_cast %mul3A_155 : i32 to index
      %get3A_157 = tpu.vector_load %arg16[%get3A_156] {strides = array<i32>} : memref<5040xi32, #tpu.memory_space<vmem>>, vector<16xi32>,
      %shift_right_logical3A = arith.constant 24 : i32
      %shift_right_logical3A_158 = vector.broadcast %shift_right_logical3A : i32 to vector<16xi32>
      %shift_right_logical3A_159 = arith.shrui %get3A_153, %shift_right_logical3A_158 : vector<16xi32>
      %and3A_160 = arith.constant 255 : i32
      %and3A_161 = vector.broadcast %and3A_160 : i32 to vector<16xi32>
      %and3A_162 = arith.andi %shift_right_logical3A_159, %and3A_161 : vector<16xi32>
      %broadcast_in_dim3A_163 = arith.constant true
      %broadcast_in_dim3A_164 = vector.broadcast %broadcast_in_dim3A_163 : i1 to vector<16xi1>
      %unique3A, %unique3A_165 = tpu.scan_count mask(%broadcast_in_dim3A_164 : vector<16xi1>) value(%and3A_162 : vector<16xi32>) : vector<16xi1>, vector<16xi32>
      %gather3A = tpu.vector_load_idx %arg19[%and3A_162] : memref<256xi32, #tpu.memory_space<vmem>>[vector<16xi32>], vector<16xi32>,
      %add3A_166 = arith.addi %gather3A, %unique3A_165 : vector<16xi32>
      %sub3A_167 = arith.constant 1 : i32
      %sub3A_168 = vector.broadcast %sub3A_167 : i32 to vector<16xi32>
      %sub3A_169 = arith.subi %add3A_166, %sub3A_168 : vector<16xi32>
      tpu.vector_store_idx %arg15[%sub3A_169], %get3A_153 : memref<5040xi32, #tpu.memory_space<vmem>>[vector<16xi32>], vector<16xi32>,
      tpu.vector_store_idx %arg17[%sub3A_169], %get3A_157 : memref<5040xi32, #tpu.memory_space<vmem>>[vector<16xi32>], vector<16xi32>,
      tpu.vector_store_idx %arg19[%and3A_162], %broadcast_in_dim3A_0 {add = true} : memref<256xi32, #tpu.memory_space<vmem>>[vector<16xi32>], vector<16xi32>,
    }
    %while3A_150 = arith.constant 1 : i32
    scf.for %while3A_151 = %while3A_148 to %while3A_144 step %while3A_150  : i32 {
      %mul3A = arith.constant 16 : i32
      %mul3A_152 = arith.muli %while3A_151, %mul3A : i32
      %get3A = arith.index_cast %mul3A_152 : i32 to index
      %get3A_153 = tpu.vector_load %arg14[%get3A] {strides = array<i32>} : memref<5040xi32, #tpu.memory_space<vmem>>, vector<16xi32>,
      %mul3A_154 = arith.constant 16 : i32
      %mul3A_155 = arith.muli %while3A_151, %mul3A_154 : i32
      %get3A_156 = arith.index_cast %mul3A_155 : i32 to index
      %get3A_157 = tpu.vector_load %arg16[%get3A_156] {strides = array<i32>} : memref<5040xi32, #tpu.memory_space<vmem>>, vector<16xi32>,
      %shift_right_logical3A = arith.constant 24 : i32
      %shift_right_logical3A_158 = vector.broadcast %shift_right_logical3A : i32 to vector<16xi32>
      %shift_right_logical3A_159 = arith.shrui %get3A_153, %shift_right_logical3A_158 : vector<16xi32>
      %and3A_160 = arith.constant 255 : i32
      %and3A_161 = vector.broadcast %and3A_160 : i32 to vector<16xi32>
      %and3A_162 = arith.andi %shift_right_logical3A_159, %and3A_161 : vector<16xi32>
      %broadcast_in_dim3A_163 = arith.constant true
      %broadcast_in_dim3A_164 = vector.broadcast %broadcast_in_dim3A_163 : i1 to vector<16xi1>
      %unique3A, %unique3A_165 = tpu.scan_count mask(%broadcast_in_dim3A_164 : vector<16xi1>) value(%and3A_162 : vector<16xi32>) : vector<16xi1>, vector<16xi32>
      %gather3A = tpu.vector_load_idx %arg19[%and3A_162] : memref<256xi32, #tpu.memory_space<vmem>>[vector<16xi32>], vector<16xi32>,
      %add3A_166 = arith.addi %gather3A, %unique3A_165 : vector<16xi32>
      %sub3A_167 = arith.constant 1 : i32
      %sub3A_168 = vector.broadcast %sub3A_167 : i32 to vector<16xi32>
      %sub3A_169 = arith.subi %add3A_166, %sub3A_168 : vector<16xi32>
      tpu.vector_store_idx %arg15[%sub3A_169], %get3A_153 : memref<5040xi32, #tpu.memory_space<vmem>>[vector<16xi32>], vector<16xi32>,
      tpu.vector_store_idx %arg17[%sub3A_169], %get3A_157 : memref<5040xi32, #tpu.memory_space<vmem>>[vector<16xi32>], vector<16xi32>,
      tpu.vector_store_idx %arg19[%and3A_162], %broadcast_in_dim3A_0 {add = true} : memref<256xi32, #tpu.memory_space<vmem>>[vector<16xi32>], vector<16xi32>,
    }
    "tpu.region"() ({
      %run_scoped3A = tpu.sem_alloc : memref<!tpu.dma_semaphore, #tpu.memory_space<semaphore_mem>>
      %dma_start3A = arith.constant 0 : i32
      %dma_start3A_151 = tpu.memref_slice %arg17[%dma_start3A] : memref<5040xi32, #tpu.memory_space<vmem>> -> memref<1024xi32, #tpu.memory_space<vmem>>
      %dma_start3A_152 = arith.constant 0 : i32
      %dma_start3A_153 = tpu.memref_slice %arg4[%arg1, %dma_start3A_152] : memref<16x1024xi32, #tpu.memory_space<hbm>> -> memref<1x1024xi32, #tpu.memory_space<hbm>>
      %dma_start3A_154 = tpu.memref_squeeze %dma_start3A_153 : memref<1x1024xi32, #tpu.memory_space<hbm>> -> memref<1024xi32, #tpu.memory_space<hbm>>
      %dma_start3A_155 = arith.constant 0 : i32
      %dma_start3A_156 = tpu.memref_slice %arg4[%arg1, %dma_start3A_155] : memref<16x1024xi32, #tpu.memory_space<hbm>> -> memref<1x1024xi32, #tpu.memory_space<hbm>>
      %dma_start3A_157 = tpu.memref_squeeze %dma_start3A_156 : memref<1x1024xi32, #tpu.memory_space<hbm>> -> memref<1024xi32, #tpu.memory_space<hbm>>
      %dma_start3A_158 = arith.constant 0 : i32
      %dma_start3A_159 = tpu.memref_slice %arg17[%dma_start3A_158] : memref<5040xi32, #tpu.memory_space<vmem>> -> memref<1024xi32, #tpu.memory_space<vmem>>
      tpu.enqueue_dma source(%dma_start3A_159 : memref<1024xi32, #tpu.memory_space<vmem>>) target(%dma_start3A_157 : memref<1024xi32, #tpu.memory_space<hbm>>) target_semaphore(%run_scoped3A : memref<!tpu.dma_semaphore, #tpu.memory_space<semaphore_mem>>)
      %dma_wait3A = arith.constant 0 : i32
      %dma_wait3A_160 = tpu.memref_slice %arg17[%dma_wait3A] : memref<5040xi32, #tpu.memory_space<vmem>> -> memref<1024xi32, #tpu.memory_space<vmem>>
      %dma_wait3A_161 = arith.constant 0 : i32
      %dma_wait3A_162 = tpu.memref_slice %arg4[%arg1, %dma_wait3A_161] : memref<16x1024xi32, #tpu.memory_space<hbm>> -> memref<1x1024xi32, #tpu.memory_space<hbm>>
      %dma_wait3A_163 = tpu.memref_squeeze %dma_wait3A_162 : memref<1x1024xi32, #tpu.memory_space<hbm>> -> memref<1024xi32, #tpu.memory_space<hbm>>
      %dma_wait3A_164 = arith.constant 0 : i32
      %dma_wait3A_165 = tpu.memref_slice %arg4[%arg1, %dma_wait3A_164] : memref<16x1024xi32, #tpu.memory_space<hbm>> -> memref<1x1024xi32, #tpu.memory_space<hbm>>
      %dma_wait3A_166 = tpu.memref_squeeze %dma_wait3A_165 : memref<1x1024xi32, #tpu.memory_space<hbm>> -> memref<1024xi32, #tpu.memory_space<hbm>>
      %dma_wait3A_167 = arith.constant 0 : i32
      %dma_wait3A_168 = tpu.memref_slice %arg17[%dma_wait3A_167] : memref<5040xi32, #tpu.memory_space<vmem>> -> memref<1024xi32, #tpu.memory_space<vmem>>
      tpu.wait_dma2 semaphore(%run_scoped3A : memref<!tpu.dma_semaphore, #tpu.memory_space<semaphore_mem>>) src(%dma_wait3A_168 : memref<1024xi32, #tpu.memory_space<vmem>>) dst(%dma_wait3A_166 : memref<1024xi32, #tpu.memory_space<hbm>>)
      tpu.yield
    }) : () -> ()
    return
  }
}

</mosaic_0001>

<sc_bundles>
// kernel: kernel.3.cloned.1.call-start
scs
__scs_entry_jumppad:
0x0: {  	(pc) =	sbr.rel $0x88, $3  }
0x1: {  	(tag) =	ssettag $0x0;
	lr =	simm.s32 $0x1  }
0x2: {  	[smem:$0x3F9F] =	sst lr;
	_ =	strace $0xD0000000  }
0x3: {  	_ = 	snop  }
0x4: {  	_ = 	snop  }
0x5: {  	_ = 	snop  }
0x6: {  	_ = 	snop  }
0x7: {  	_ = 	snop  }
__scs_overlays_trampoline_lowered:
0x8: {  	[smem:$0x3FAE] =	sst s0  }
0x9: {  	[smem:$0x3FAF] =	sst s1  }
0xa: {  	[smem:$0x3FB0] =	sst s2  }
0xb: {  	[smem:$0x3FB1] =	sst s3  }
0xc: {  	[smem:$0x3FB2] =	sst s4  }
0xd: {  	[smem:$0x3FB3] =	sst s5  }
0xe: {  	[smem:$0x3FB4] =	sst s6  }
0xf: {  	[smem:$0x3FB5] =	sst s7  }
0x10: {  	[smem:$0x3FB6] =	sst s8  }
0x11: {  	[smem:$0x3FB7] =	sst s9;
	s0 =	simm.s32 @!p0 $0x0  }
0x12: {  	s1 =	sld [smem:$0x3F9D];
	s0 =	simm.s32 @p0 $0x1  }
0x13: {  	[smem:$0x3FB8] =	sst s0;
	s0 =	simm.s32 @!p1 $0x0  }
0x14: {  	s2 =	sld [smem:$0x3F9C];
	s0 =	simm.s32 @p1 $0x1  }
0x15: {  	[smem:$0x3FB9] =	sst s0;
	s0 =	simm.s32 @!p2 $0x0  }
0x16: {  	s3 =	sld [smem:$0x3FDB];
	s0 =	simm.s32 @p2 $0x1  }
0x17: {  	s4 =	simm.s32 $0x1BF5;
	[smem:$0x3FBB] =	sst s0  }
0x18: {  	s0 =	sld [smem:$0x3F9E];
	_ =	swait.ge [sflag:s4], $0x0  }
0x19: {  	s7 =	sld [smem:$0x3F9F]  }
0x1a: {  	s8 =	sadd.s32 $0xFFFFE003, lr  }
0x1b: {  	s9 =	sadd.s32 $0xFFFFFEF7, lr;
	s5 =	simm.s32 $0xFFFFFFFF;
	p2 =	slt.u32 s8, $0xFFFFF086  }
0x1c: {  	p1 =	slt.u32 s9, $0xF7A;
	s5 =	simm.s32 @!p2 $0x0  }
0x1d: {  	s5 =	simm.s32 @p1 $0x1;
	p0 =	seq.s32 s7, s2  }
0x1e: {  	s7 =	smul.u32 @!p0 $0xF7A, s2;
	p2 =	seq.s32 @!p0 s5, $0x0  }
0x1f: {  	s9 =	smul.u32 $0xF7A, s1;
	s8 =	simm.s32 @!p0 $0x1BF5;
	p2 =	por !p2, p0  }
0x20: {  	[sflag:s8] =	ssyncset.s32 @!p0 $0xFFFFF086;
	s6 =	sadd.s32 @!p0 s3, s7;
	s7 =	simm.s32 @!p0 $0x108  }
0x21: {  	s3 =	sadd.s32 s3, s9;
	s6 =	sadd.s32 @!p0 $0x88, s6;
	s7 =	simm.s32 @p2 $0x1082  }
0x22: {  	[simem:s7], [sflag:s8] =	dma.local @!p0 [hbm:s6], $0xF7A  }
0x23: {  	s9 =	sor.u32 $0xD0000000, s2;
	s6 =	simm.s32 $0x108;
	_ =	swait.ge @!p0 [sflag:s8], $0x0  }
0x24: {  	s3 =	sadd.s32 $0x88, s3;
	s6 =	simm.s32 @!p1 $0x1082;
	[sflag:s4] =	ssyncset.s32 $0xFFFFF086  }
0x25: {  	[simem:s6], [sflag:s4] =	dma.local [hbm:s3], $0xF7A  }
0x26: {  	[smem:$0x3F9F] =	sst s1;
	(tag) =	ssettag s2;
	_ =	strace s9  }
0x27: {  	s1 =	sld [smem:$0x3FAF]  }
0x28: {  	s2 =	sld [smem:$0x3FB0]  }
0x29: {  	s4 =	sld [smem:$0x3FB2]  }
0x2a: {  	p0 =	seq.s32 s5, $0x0;
	s5 =	sld [smem:$0x3FB3]  }
0x2b: {  	s6 =	sld [smem:$0x3FB4]  }
0x2c: {  	s7 =	sld [smem:$0x3FB5]  }
0x2d: {  	s3 =	simm.s32 $0x108;
	s8 =	sld [smem:$0x3FB6]  }
0x2e: {  	s3 =	simm.s32 @!p0 $0x1082;
	s9 =	sld [smem:$0x3FB7]  }
0x2f: {  	lr =	sadd.s32 s0, s3;
	s0 =	sld [smem:$0x3FAE]  }
0x30: {  	s3 =	sld [smem:$0x3FB1]  }
0x31: {  	[smem:$0x3FBA] =	sst s10  }
0x32: {  	s10 =	sld [smem:$0x3FB8];
	_ =	sdelay $0x3  }
0x33: {  	p0 =	seq.s32 s10, $0x1;
	s10 =	sld [smem:$0x3FBA];
	_ =	sdelay $0x3  }
0x34: {  	[smem:$0x3FBA] =	sst s10  }
0x35: {  	s10 =	sld [smem:$0x3FB9];
	_ =	sdelay $0x3  }
0x36: {  	p1 =	seq.s32 s10, $0x1;
	s10 =	sld [smem:$0x3FBA];
	_ =	sdelay $0x3  }
0x37: {  	[smem:$0x3FBA] =	sst s10  }
0x38: {  	s10 =	sld [smem:$0x3FBB]  }
0x39: {  	_ = 	snop;
	(pc) =	sbr.ind lr, $3  }
0x3a: {  	_ = 	snop  }
0x3b: {  	_ = 	snop  }
0x3c: {  	p2 =	seq.s32 s10, $0x1;
	s10 =	sld [smem:$0x3FBA]  }
0x3d: {  	_ =	shalt  }
0x3e: {  	_ =	shalt  }
0x3f: {  	_ =	shalt  }
0x40: {  	_ =	shalt  }
0x41: {  	_ =	shalt  }
0x42: {  	_ =	shalt  }
0x43: {  	_ =	shalt  }
0x44: {  	_ =	shalt  }
0x45: {  	_ =	shalt  }
0x46: {  	_ =	shalt  }
0x47: {  	_ =	shalt  }
0x48: {  	_ =	shalt  }
0x49: {  	_ =	shalt  }
0x4a: {  	_ =	shalt  }
0x4b: {  	_ =	shalt  }
0x4c: {  	_ =	shalt  }
0x4d: {  	_ =	shalt  }
0x4e: {  	_ =	shalt  }
0x4f: {  	_ =	shalt  }
0x50: {  	_ =	shalt  }
0x51: {  	_ =	shalt  }
0x52: {  	_ =	shalt  }
0x53: {  	_ =	shalt  }
0x54: {  	_ =	shalt  }
0x55: {  	_ =	shalt  }
0x56: {  	_ =	shalt  }
0x57: {  	_ =	shalt  }
0x58: {  	_ =	shalt  }
0x59: {  	_ =	shalt  }
0x5a: {  	_ =	shalt  }
0x5b: {  	_ =	shalt  }
0x5c: {  	_ =	shalt  }
0x5d: {  	_ =	shalt  }
0x5e: {  	_ =	shalt  }
0x5f: {  	_ =	shalt  }
0x60: {  	_ =	shalt  }
0x61: {  	_ =	shalt  }
0x62: {  	_ =	shalt  }
0x63: {  	_ =	shalt  }
0x64: {  	_ =	shalt  }
0x65: {  	_ =	shalt  }
0x66: {  	_ =	shalt  }
0x67: {  	_ =	shalt  }
0x68: {  	_ =	shalt  }
0x69: {  	_ =	shalt  }
0x6a: {  	_ =	shalt  }
0x6b: {  	_ =	shalt  }
0x6c: {  	_ =	shalt  }
0x6d: {  	_ =	shalt  }
0x6e: {  	_ =	shalt  }
0x6f: {  	_ =	shalt  }
0x70: {  	_ =	shalt  }
0x71: {  	_ =	shalt  }
0x72: {  	_ =	shalt  }
0x73: {  	_ =	shalt  }
0x74: {  	_ =	shalt  }
0x75: {  	_ =	shalt  }
0x76: {  	_ =	shalt  }
0x77: {  	_ =	shalt  }
0x78: {  	_ =	shalt  }
0x79: {  	_ =	shalt  }
0x7a: {  	_ =	shalt  }
0x7b: {  	_ =	shalt  }
0x7c: {  	_ =	shalt  }
0x7d: {  	_ =	shalt  }
0x7e: {  	_ =	shalt  }
0x7f: {  	_ =	shalt  }
0x80: {  	_ =	shalt  }
0x81: {  	_ =	shalt  }
0x82: {  	_ =	shalt  }
0x83: {  	_ =	shalt  }
0x84: {  	_ =	shalt  }
0x85: {  	_ =	shalt  }
0x86: {  	_ =	shalt  }
0x87: {  	_ =	shalt  }
.Lfunc_end0:
.L_simem_size_0:
called_computation_lowered:
.L_overlay_start_0:
0x88: {  	s0 =	sld [smem:$0x3FD9]  }
0x89: {  	s1 =	sld [smem:$0x3FFE];
	_ =	sdelay $0x3  }
0x8a: {  	s0 =	sadd.s32 s1, s0  }
0x8b: {  	[smem:$0x3FC6] =	sst s0  }
0x8c: {  	_ = 	snop  }
0x8d: {  	(tm) =	ssettm $0x1  }
0x8e: {  	s15 =	sld [smem:$0x3FFB];
	_ =	sdelay $0x3  }
0x8f: {  	_ =	strace s15  }
0x90: {  	s0 =	sld [smem:$0x3FFC];
	_ =	sdelay $0x3  }
0x91: {  	_ =	strace s0  }
0x92: {  	s0 =	sld [smem:$0x3FFD];
	_ =	sdelay $0x3  }
0x93: {  	_ =	strace s0  }
0x94: {  	_ =	strace $0x8FFFFFFF  }
0x95: {  	s16 =	sld [smem:$0x3FDB];
	_ =	sdelay $0x1  }
0x96: {  	s17 =	simm.s32 $_scs_section_size  }
0x97: {  	s2 =	simm.s32 $_size__tile_overlayer_lowered;
	s3 =	simm.s32 $_tile_overlayer_lowered  }
0x98: {  	s20 =	simm.s32 $0x1BFF;
	s19 =	sshll.u32 s3, $0x1;
	s0 =	sadd.s32 s17, s16  }
0x99: {  	s4 =	simm.s32 $0x0;
	s18 =	sshll.u32 s2, $0x1;
	s2 =	sadd.s32 s19, s0  }
0x9a: {  	[timem:s4], [sflag:s20] =	dma.local [hbm:s2], s18  }
0x9b: {  	_ =	swait.ge [sflag:s20], s18  }
0x9c: {  	s1 =	ssub.s32 $0x0, s18;
	[sflag:s20] =	ssyncset.done $0x0  }
0x9d: {  	[sflag:s20] =	ssyncadd.s32 s1;
	_ =	sdelay $0x1  }
0x9e: {  	s21 =	simm.s32 $0x1B8B  }
0x9f: {  	_ =	swait.ge [sflag:s21], $0x1  }
0xa0: {  	[sflag:s21] =	ssyncset.done $0x0  }
0xa1: {  	s23 =	simm.s32 $0x1B8E;
	s22 =	sld [smem:$0x3FFE];
	[sflag:s21] =	ssyncadd.s32 $0xFFFFFFFF  }
0xa2: {  	s24 =	simm.s32 $execute0_lowered;
	[smem:$0x3FD2] =	sst s23  }
0xa3: {  	s2 =	sshll.u32 s24, $0x1;
	_ =	strace $0x80000046;
	[dreg:$0x1] =	wrdreg $0xFFFFFFFF  }
0xa4: {  	s25 =	simm.s32 $_size_execute0_lowered;
	s0 =	sadd.s32 s0, s2;
	[dreg:$0x0] =	wrdreg $0x0  }
0xa5: {  	s2 =	sshll.u32 s25, $0x1;
	[dreg:$0x2] =	wrdreg s0  }
0xa6: {  	[dreg:$0x3] =	wrdreg s2  }
0xa7: {  	[dreg:$0x4] =	wrdreg $0xC0  }
0xa8: {  	_ =	task [dreg:s4], $0x5FFFF  }
0xa9: {  	[dreg:$0x1] =	wrdreg $0xFFFFFFFF  }
0xaa: {  	[dreg:$0x0] =	wrdreg $0x60  }
0xab: {  	[dreg:$0x2] =	wrdreg s22  }
0xac: {  	[dreg:$0x3] =	wrdreg $0x9  }
0xad: {  	_ =	task.clear_ibuf [dreg:s4], $0x4FFFF;
	_ =	strace $0x90000046  }
0xae: {  	s26 =	simm.s32 $0x9;
	_ =	strace $0x80000048  }
0xaf: {  	_ =	swait.ge [sflag:s26], $0x1  }
0xb0: {  	[sflag:s26] =	ssyncadd.s32 $0xFFFFFFFF  }
0xb1: {  	_ =	strace $0x90000048  }
0xb2: {  	_ =	sfence  }
0xb3: {  	s28 =	sld [smem:$0x0];
	_ =	sdelay $0x1  }
0xb4: {  	s29 =	srdreg.scid  }
0xb5: {  	s30 =	sshll.u32 s29, $0xD;
	s31 =	sshrl.u32 s29, $0x2  }
0xb6: {  	s1 =	sand.u32 $0x1, s29;
	s2 =	sand.u32 $0x4000, s30;
	s0 =	sadd.s32 s31, s28  }
0xb7: {  	s1 =	sor.u32 s2, s1;
	s0 =	sshll.u32 s0, $0x11  }
0xb8: {  	s0 =	sor.u32 s0, s1  }
0xb9: {  	s0 =	sadd.s32 $0x8F2B, s0  }
0xba: {  	[sflag:s0] =	ssyncadd.remote.s32 $0x1  }
0xbb: {  	_ =	sfence.sel $0xFFFF  }
0xbc: {  	[dreg:$0x0] =	wrdreg $0xFFFFFFFF;
	(pc) =	sbr.abs _section_cstart, $3  }
0xbd: {  	[dreg:$0x1] =	wrdreg $0xFFFFFFFF  }
0xbe: {  	_ =	task.clear_ibuf [dreg:s4], $0x2FFFF;
	_ =	strace $0x9FFFFFFF  }
0xbf: {  	(tm) =	ssettm $0x7FFFFFFF  }
tec
execute0_lowered:
.L_overlay_start_1:
0x0: {  	(tag) =	ssettag $0x1  }
0x1: {  	s4 =	rddreg [dreg:$0x0];
	s3 =	simm.s32 $0x0  }
0x2: {  	v0 =	vimm.s32 $0x0;
	[smem:$0x7FF] =	sst s3  }
0x3: {  	s0 =	rddreg [dreg:$0x1];
	_ =	strace $0x80000047;
	[tilespmem:$0xC400] =	vst v0  }
0x4: {  	[tilespmem:$0xC410] =	vst v0  }
0x5: {  	[tilespmem:$0xC420] =	vst v0  }
0x6: {  	[tilespmem:$0xC430] =	vst v0  }
0x7: {  	[tilespmem:$0xC440] =	vst v0  }
0x8: {  	[tilespmem:$0xC450] =	vst v0  }
0x9: {  	[tilespmem:$0xC460] =	vst v0  }
0xa: {  	[tilespmem:$0xC470] =	vst v0  }
0xb: {  	[tilespmem:$0xC480] =	vst v0  }
0xc: {  	s1 =	stileid.u32;
	[tilespmem:$0xC490] =	vst v0  }
0xd: {  	p0 =	sgt.u32 s1, $0x7;
	[tilespmem:$0xC4A0] =	vst v0  }
.Ltmp0:
0xe: {  	[tilespmem:$0xC4B0] =	vst v0;
	(pc) =	sbr.rel @p0 .LBB2_33-.Ltmp0, $4  }
0xf: {  	s5 =	sshll.u32 s1, $0x4;
	[tilespmem:$0xC4C0] =	vst v0  }
0x10: {  	s2 =	sshll.u32 s1, $0x7;
	s6 =	sand.u32 $0x70, s5;
	[tilespmem:$0xC4D0] =	vst v0  }
0x11: {  	[tilespmem:$0xC4E0] =	vst v0;
	s2 =	sand.u32 $0x400, s2;
	s7 =	sadd.s32 s6, s4  }
0x12: {  	[tilespmem:$0xC4F0] =	vst v0;
	s2 =	sadd.s32 s2, s7  }
0x13: {  	s4 =	sadd.s32 $0x1600, s4;
	s26 =	simm.s32 $0x80  }
0x14: {  	s6 =	simm.s32 $0x400;
	s28 =	simm.s32 $0x1;
	s4 =	sadd.s32 s4, s5  }
0x15: {  	[tilespmem:s3], [sflag:$0x1] =	stream.strided.gather [hbm4b:s4+s26], $0x1400, s6, s26, $0x38;
	[tilespmem:$0xC600] =	vst v63  }
0x16: {  	_ =	swait.ge [sflag:s28], $0x1400  }
0x17: {  	[sflag:s28] =	ssyncset.done $0x0  }
0x18: {  	s8 =	simm.s32 $0x1400;
	s7 =	sadd.s32 $0x1400, s4;
	[sflag:s28] =	ssyncadd.s32 $0xFFFFEC00  }
0x19: {  	[tilespmem:s8], [sflag:$0x1] =	stream.strided.gather [hbm4b:s7+s26], $0x1400, s6, s26, $0x38;
	[tilespmem:$0xC600] =	vst v63  }
0x1a: {  	_ =	swait.ge [sflag:s28], $0x1400  }
0x1b: {  	[sflag:s28] =	ssyncset.done $0x0  }
0x1c: {  	s30 =	simm.s32 $0x2800;
	s29 =	sadd.s32 $0x2800, s4;
	[sflag:s28] =	ssyncadd.s32 $0xFFFFEC00  }
0x1d: {  	[tilespmem:s30], [sflag:$0x1] =	stream.strided.gather [hbm4b:s29+s26], $0x1400, s6, s26, $0x38;
	[tilespmem:$0xC600] =	vst v63  }
0x1e: {  	_ =	swait.ge [sflag:s28], $0x1400  }
0x1f: {  	[sflag:s28] =	ssyncset.done $0x0  }
0x20: {  	s31 =	simm.s32 $0x3C00;
	s4 =	sadd.s32 $0x3C00, s4;
	[sflag:s28] =	ssyncadd.s32 $0xFFFFEC00  }
0x21: {  	[tilespmem:s31], [sflag:$0x1] =	stream.strided.gather [hbm4b:s4+s26], $0x1400, s6, s26, $0x38;
	[tilespmem:$0xC600] =	vst v63  }
0x22: {  	_ =	swait.ge [sflag:s28], $0x1400  }
0x23: {  	[sflag:s28] =	ssyncset.done $0x0  }
0x24: {  	s3 =	simm.s32 $0x0;
	[sflag:s28] =	ssyncadd.s32 $0xFFFFEC00  }
0x25: {  	v2 =	vld [tilespmem:s3+$0x3C00]  }
0x26: {  	v3 =	vld [tilespmem:s3+$0x1400]  }
0x27: {  	v1 =	vimm.s32 $0x80;
	v0 =	vimm.s32 $0x1;
	s5 =	simm.s32 $0x40;
	s4 =	simm.s32 $0xC400;
	v4 =	vld [tilespmem:s3+$0x2800]  }
.LBB2_2:
0x28: {  	p0 =	sne.s32 s5, $0x4DC0;
	v5 =	vld [tilespmem:s3+$0x0];
	_ =	sdelay $0x4  }
0x29: {  	v2 =	vsub.f32 v2, v3;
	v4 =	vsub.f32 v4, v5;
	_ =	sdelay $0x1  }
0x2a: {  	v2 =	vmul.f32 v2, v4;
	_ =	sdelay $0x1  }
0x2b: {  	vm0 =	veq.f32 v2, $0.0e+00  }
0x2c: {  	v2 =	vsel vm0, $0x0, v2  }
0x2d: {  	v3 =	vshra.s32 v2, $0x1F  }
0x2e: {  	v3 =	vor.u32 $0x80000000, v3  }
0x2f: {  	v2 =	vxor.u32 v2, v3  }
0x30: {  	v3 =	vxor.u32 $0xFFFFFFFF, v2  }
0x31: {  	vm0 =	vlt.s32 v2, $0x0;
	v4 =	vshrl.u32 v3, $0x18  }
0x32: {  	v2 =	vand.u32 $0x7F, v4;
	v4 =	vsel vm0, $0x0, v1  }
0x33: {  	v2 =	vor.u32 v2, v4;
	_ =	sdelay $0x3  }
.Ltmp1:
0x34: {  	[tilespmem:s3+$0x6000] =	vst v3;
	(pc) =	sbr.rel @p0 .LBB2_2-.Ltmp1, $4  }
0x35: {  	s3 =	sshra.s32 s5, $0x2;
	[tilespmem:v2+s4+$0x0] =	vst.idx.add.s32.msk $0xffff, v0  }
0x36: {  	v2 =	vld [tilespmem:s3+$0x3C00]  }
0x37: {  	v3 =	vld [tilespmem:s3+$0x1400]  }
0x38: {  	s5 =	sadd.s32 $0x40, s5;
	v4 =	vld [tilespmem:s3+$0x2800]  }
0x39: {  	v5 =	vld [tilespmem:s3+$0x0];
	_ =	sdelay $0x4  }
0x3a: {  	v2 =	vsub.f32 v2, v3;
	v4 =	vsub.f32 v4, v5;
	_ =	sdelay $0x1  }
0x3b: {  	v2 =	vmul.f32 v2, v4;
	_ =	sdelay $0x1  }
0x3c: {  	vm0 =	veq.f32 v2, $0.0e+00  }
0x3d: {  	vm6 =	vcmask $0x300;
	v2 =	vsel vm0, $0x0, v2  }
0x3e: {  	v58 =	vimm.s32 $0x0;
	vm7 =	vcmask $0x704;
	v57 =	vshra.s32 v2, $0x1F  }
0x3f: {  	vm8 =	vcmask $0xB08;
	v59 =	vsel vm6, $0x1380, v58;
	v3 =	vor.u32 $0x80000000, v57  }
0x40: {  	vm9 =	vcmask $0xF0C;
	v2 =	vxor.u32 v2, v3;
	v3 =	vsel vm7, $0x1381, v59  }
0x41: {  	vm10 =	vcmask $0x1310;
	vm11 =	vcmask $0x1714;
	v3 =	vsel vm8, $0x1382, v3  }
0x42: {  	vm1 =	vlt.s32 v2, $0x0;
	v2 =	vxor.u32 $0xFFFFFFFF, v2;
	v3 =	vsel vm9, $0x1383, v3  }
0x43: {  	vm12 =	vcmask $0x1B18;
	v60 =	vshrl.u32 v2, $0x18;
	v3 =	vsel vm10, $0x1384, v3  }
0x44: {  	v1 =	vsel vm1, $0x0, v1;
	v4 =	vand.u32 $0x7F, v60;
	v3 =	vsel vm11, $0x1385, v3  }
0x45: {  	vm13 =	vcmask $0x1F1C;
	v1 =	vor.u32 v4, v1;
	v3 =	vsel vm12, $0x1386, v3  }
0x46: {  	v3 =	vsel vm13, $0x1387, v3;
	_ =	sdelay $0x2  }
0x47: {  	[tilespmem:s3+$0x6000] =	vst v2  }
0x48: {  	s26 =	simm.s32 $0x0;
	[tilespmem:v1+s4+$0x0] =	vst.idx.add.s32.msk $0xffff, v0  }
0x49: {  	s28 =	simm.s32 $0x1400;
	v0 =	vld.idx.msk [tilespmem:v3+s26+$0x0], $0xffff  }
0x4a: {  	s29 =	simm.s32 $0x2800;
	v1 =	vld.idx.msk [tilespmem:v3+s28+$0x0], $0xffff  }
0x4b: {  	s30 =	simm.s32 $0x3C00;
	v2 =	vld.idx.msk [tilespmem:v3+s29+$0x0], $0xffff  }
0x4c: {  	v3 =	vld.idx.msk [tilespmem:v3+s30+$0x0], $0xffff;
	_ =	sdelay $0x4  }
0x4d: {  	v0 =	vsub.f32 v2, v0;
	v1 =	vsub.f32 v3, v1;
	_ =	sdelay $0x1  }
0x4e: {  	v0 =	vmul.f32 v1, v0;
	_ =	sdelay $0x1  }
0x4f: {  	vm14 =	veq.f32 v0, $0.0e+00  }
0x50: {  	v0 =	vsel vm14, $0x0, v0  }
0x51: {  	v61 =	vshra.s32 v0, $0x1F  }
0x52: {  	v1 =	vor.u32 $0x80000000, v61  }
0x53: {  	v0 =	vxor.u32 v1, v0  }
0x54: {  	vm15 =	vmmov $0xff;
	v0 =	vxor.u32 $0xFFFFFFFF, v0  }
0x55: {  	v0 =	vnsel vm15, $0xFFFFFFFF, v0  }
0x56: {  	v62 =	vshrl.u32 v0, $0x18  }
.Ltmp2:
0x57: {  	_ = 	snop;
	(pc) =	sbr.rel .LBB2_4-.Ltmp2, $3  }
0x58: {  	_ =	sdelay $0x1  }
0x59: {  	v63 =	vimm.s32 $0x1;
	s31 =	simm.s32 $0xC400;
	[tilespmem:$0x7380] =	vst v0  }
0x5a: {  	[tilespmem:v62+s31+$0x0] =	vst.idx.add.s32.msk $0xffff, v63  }
.LBB2_33:
0x5b: {  	s3 =	sadd.s32 $0x600, s4;
	s25 =	simm.s32 $0x80;
	s5 =	simm.s32 $0x400  }
0x5c: {  	s26 =	simm.s32 $0x5000;
	s28 =	simm.s32 $0x1;
	s3 =	sadd.s32 s3, s6  }
0x5d: {  	[tilespmem:s26], [sflag:$0x1] =	stream.strided.gather [hbm4b:s3+s25], $0x400, s5, s25, $0x38;
	[tilespmem:$0xC600] =	vst v63  }
0x5e: {  	_ =	swait.ge [sflag:s28], $0x400  }
0x5f: {  	[sflag:s28] =	ssyncset.done $0x0  }
0x60: {  	s8 =	simm.s32 $0x5400;
	s7 =	sadd.s32 $0x400, s3;
	[sflag:s28] =	ssyncadd.s32 $0xFFFFFC00  }
0x61: {  	[tilespmem:s8], [sflag:$0x1] =	stream.strided.gather [hbm4b:s7+s25], $0x400, s5, s25, $0x38;
	[tilespmem:$0xC600] =	vst v63  }
0x62: {  	_ =	swait.ge [sflag:s28], $0x400  }
0x63: {  	[sflag:s28] =	ssyncset.done $0x0  }
0x64: {  	s30 =	simm.s32 $0x5800;
	s29 =	sadd.s32 $0x800, s3;
	[sflag:s28] =	ssyncadd.s32 $0xFFFFFC00  }
0x65: {  	[tilespmem:s30], [sflag:$0x1] =	stream.strided.gather [hbm4b:s29+s25], $0x400, s5, s25, $0x38;
	[tilespmem:$0xC600] =	vst v63  }
0x66: {  	_ =	swait.ge [sflag:s28], $0x400  }
0x67: {  	[sflag:s28] =	ssyncset.done $0x0  }
0x68: {  	s31 =	simm.s32 $0x5C00;
	s3 =	sadd.s32 $0xC00, s3;
	[sflag:s28] =	ssyncadd.s32 $0xFFFFFC00  }
0x69: {  	[tilespmem:s31], [sflag:$0x1] =	stream.strided.gather [hbm4b:s3+s25], $0x400, s5, s25, $0x38;
	[tilespmem:$0xC600] =	vst v63  }
0x6a: {  	_ =	swait.ge [sflag:s28], $0x400  }
0x6b: {  	[sflag:s28] =	ssyncset.done $0x0  }
0x6c: {  	s3 =	simm.s32 $0x0;
	[sflag:s28] =	ssyncadd.s32 $0xFFFFFC00  }
0x6d: {  	v2 =	vld [tilespmem:s3+$0x5C00]  }
0x6e: {  	v3 =	vld [tilespmem:s3+$0x5400]  }
0x6f: {  	v1 =	vimm.s32 $0x80;
	v0 =	vimm.s32 $0x1;
	s4 =	simm.s32 $0xC400;
	s5 =	simm.s32 $0x40;
	v4 =	vld [tilespmem:s3+$0x5800]  }
.LBB2_34:
0x70: {  	p0 =	sne.s32 s5, $0xF40;
	v5 =	vld [tilespmem:s3+$0x5000];
	_ =	sdelay $0x4  }
0x71: {  	v2 =	vsub.f32 v2, v3;
	v4 =	vsub.f32 v4, v5;
	_ =	sdelay $0x1  }
0x72: {  	v2 =	vmul.f32 v2, v4;
	_ =	sdelay $0x1  }
0x73: {  	vm0 =	veq.f32 v2, $0.0e+00  }
0x74: {  	v2 =	vsel vm0, $0x0, v2  }
0x75: {  	v3 =	vshra.s32 v2, $0x1F  }
0x76: {  	v3 =	vor.u32 $0x80000000, v3  }
0x77: {  	v2 =	vxor.u32 v2, v3  }
0x78: {  	v3 =	vxor.u32 $0xFFFFFFFF, v2  }
0x79: {  	vm0 =	vlt.s32 v2, $0x0;
	v4 =	vshrl.u32 v3, $0x18  }
0x7a: {  	v2 =	vand.u32 $0x7F, v4;
	v4 =	vsel vm0, $0x0, v1  }
0x7b: {  	v2 =	vor.u32 v2, v4;
	_ =	sdelay $0x3  }
.Ltmp3:
0x7c: {  	[tilespmem:s3+$0x6000] =	vst v3;
	(pc) =	sbr.rel @p0 .LBB2_34-.Ltmp3, $4  }
0x7d: {  	s3 =	sshra.s32 s5, $0x2;
	[tilespmem:v2+s4+$0x0] =	vst.idx.add.s32.msk $0xffff, v0  }
0x7e: {  	v2 =	vld [tilespmem:s3+$0x5C00]  }
0x7f: {  	v3 =	vld [tilespmem:s3+$0x5400]  }
0x80: {  	s5 =	sadd.s32 $0x40, s5;
	v4 =	vld [tilespmem:s3+$0x5800]  }
0x81: {  	v5 =	vld [tilespmem:s3+$0x5000];
	_ =	sdelay $0x4  }
0x82: {  	v2 =	vsub.f32 v2, v3;
	v4 =	vsub.f32 v4, v5;
	_ =	sdelay $0x1  }
0x83: {  	v2 =	vmul.f32 v2, v4;
	_ =	sdelay $0x1  }
0x84: {  	vm0 =	veq.f32 v2, $0.0e+00  }
0x85: {  	v2 =	vsel vm0, $0x0, v2  }
0x86: {  	v3 =	vshra.s32 v2, $0x1F  }
0x87: {  	vm6 =	vcmask $0x300;
	v62 =	vimm.s32 $0x0;
	v3 =	vor.u32 $0x80000000, v3  }
0x88: {  	vm7 =	vcmask $0x704;
	v2 =	vxor.u32 v2, v3;
	v3 =	vsel vm6, $0x3E0, v62  }
0x89: {  	vm8 =	vcmask $0xB08;
	vm9 =	vcmask $0xF0C;
	v3 =	vsel vm7, $0x3E1, v3  }
0x8a: {  	vm10 =	vcmask $0x1310;
	vm11 =	vcmask $0x1714;
	v3 =	vsel vm8, $0x3E2, v3  }
0x8b: {  	vm1 =	vlt.s32 v2, $0x0;
	v2 =	vxor.u32 $0xFFFFFFFF, v2;
	v3 =	vsel vm9, $0x3E3, v3  }
0x8c: {  	vm12 =	vcmask $0x1B18;
	v63 =	vshrl.u32 v2, $0x18;
	v3 =	vsel vm10, $0x3E4, v3  }
0x8d: {  	v1 =	vsel vm1, $0x0, v1;
	v4 =	vand.u32 $0x7F, v63;
	v3 =	vsel vm11, $0x3E5, v3  }
0x8e: {  	vm13 =	vcmask $0x1F1C;
	v1 =	vor.u32 v4, v1;
	v3 =	vsel vm12, $0x3E6, v3  }
0x8f: {  	v3 =	vsel vm13, $0x3E7, v3;
	_ =	sdelay $0x2  }
0x90: {  	[tilespmem:s3+$0x6000] =	vst v2  }
0x91: {  	s26 =	simm.s32 $0x5000;
	[tilespmem:v1+s4+$0x0] =	vst.idx.add.s32.msk $0xffff, v0  }
0x92: {  	s28 =	simm.s32 $0x5400;
	v0 =	vld.idx.msk [tilespmem:v3+s26+$0x0], $0xffff  }
0x93: {  	s29 =	simm.s32 $0x5800;
	v1 =	vld.idx.msk [tilespmem:v3+s28+$0x0], $0xffff  }
0x94: {  	s30 =	simm.s32 $0x5C00;
	v2 =	vld.idx.msk [tilespmem:v3+s29+$0x0], $0xffff  }
0x95: {  	v3 =	vld.idx.msk [tilespmem:v3+s30+$0x0], $0xffff;
	_ =	sdelay $0x4  }
0x96: {  	v0 =	vsub.f32 v2, v0;
	v1 =	vsub.f32 v3, v1;
	_ =	sdelay $0x1  }
0x97: {  	v0 =	vmul.f32 v1, v0;
	_ =	sdelay $0x1  }
0x98: {  	vm14 =	veq.f32 v0, $0.0e+00  }
0x99: {  	v0 =	vsel vm14, $0x0, v0  }
0x9a: {  	v1 =	vshra.s32 v0, $0x1F  }
0x9b: {  	v1 =	vor.u32 $0x80000000, v1  }
0x9c: {  	v0 =	vxor.u32 v1, v0  }
0x9d: {  	vm15 =	vmmov $0xff;
	v0 =	vxor.u32 $0xFFFFFFFF, v0  }
0x9e: {  	v0 =	vnsel vm15, $0xFFFFFFFF, v0  }
0x9f: {  	v1 =	vshrl.u32 v0, $0x18;
	_ =	sdelay $0x3  }
0xa0: {  	s31 =	simm.s32 $0xC400;
	[tilespmem:$0x63E0] =	vst v0;
	v0 =	vimm.s32 $0x1  }
0xa1: {  	s3 =	simm.s32 $0x40;
	s4 =	simm.s32 $0x0;
	[tilespmem:v1+s31+$0x0] =	vst.idx.add.s32.msk $0xffff, v0;
	v0 =	vimm.s32 $0xFFFFFFFF  }
.LBB2_36:
0xa2: {  	p0 =	seq.s32 s3, $0x3E40;
	[tilespmem:s4+$0x63F0] =	vst v0;
	s4 =	smov.u32 s3;
	s3 =	sadd.s32 $0x40, s3  }
.Ltmp4:
0xa3: {  	(pc) =	sbr.rel @!p0 .LBB2_36-.Ltmp4, $2  }
0xa4: {  	_ =	sdelay $0x2  }
0xa5: {  	s4 =	sshra.s32 s4, $0x2  }
0xa6: {  	[tilespmem:s4+$0x63F0] =	vst v0  }
.LBB2_4:
0xa7: {  	s4 =	simm.s32 $0x0  }
0xa8: {  	v1 =	vld [tilespmem:s4+$0xC400]  }
0xa9: {  	s21 =	simm.s32 $0x10  }
0xaa: {  	v2 =	vld [tilespmem:s21+$0xC400];
	_ =	sdelay $0x2  }
0xab: {  	(xrf0) =	vadd.scan.msk.s32 $0xffff, v1;
	_ =	sdelay $0x1  }
0xac: {  	s22 =	simm.s32 $0x20;
	(xrf0) =	vadd.scan.msk.s32 $0xffff, v2  }
0xad: {  	v1 =	vld [tilespmem:s22+$0xC400];
	_ =	sdelay $0x2  }
0xae: {  	v2, _, _ =	vpop (xrf0)  }
0xaf: {  	(v2sf) =	vpush v2, $0xF  }
0xb0: {  	s23 =	simm.s32 $0x30;
	(xrf0) =	vadd.scan.msk.s32 $0xffff, v1;
	v4, _, _ =	vpop (xrf0)  }
0xb1: {  	v3 =	vld [tilespmem:s23+$0xC400];
	(v2sf) =	vpush v4, $0xF;
	_ =	sdelay $0x2  }
0xb2: {  	s3 =	simm.s32 $0x0  }
0xb3: {  	v1 =	vadd.s32 s3, v2  }
0xb4: {  	v0 =	vimm.s32 $0x0;
	(xrf0) =	vadd.scan.msk.s32 $0xffff, v3;
	vm0 =	vlt.s32 v1, $0x3E8;
	v2, _, _ =	vpop (xrf0)  }
0xb5: {  	v1 =	vsel vm0, $0x1, v0;
	(v2sf) =	vpush v2, $0xF  }
0xb6: {  	(xrf0) =	vadd.scan.msk.s32 $0xffff, v1;
	_ =	sdelay $0x3  }
0xb7: {  	s24 =	simm.s32 $0x40;
	v1, _, _ =	vpop (xrf0)  }
0xb8: {  	v3 =	vld [tilespmem:s24+$0xC400];
	(v2sf) =	vpush v1, $0xF  }
0xb9: {  	s5 =	simm.s32 $0x50;
	v5, _, _ =	vpop (xrf0);
	s25 =	spop (v2sf)  }
0xba: {  	(v2sf) =	vpush v5, $0xF;
	v5 =	vld [tilespmem:s5+$0xC400];
	s4 =	sadd.s32 $0x0, s25  }
0xbb: {  	s26 =	spop (v2sf);
	v4 =	vadd.s32 s4, v4  }
0xbc: {  	s4 =	sadd.s32 s4, s26;
	vm0 =	vlt.s32 v4, $0x3E8  }
0xbd: {  	(xrf0) =	vadd.scan.msk.s32 $0xffff, v3;
	v2 =	vadd.s32 s4, v2;
	v3 =	vsel vm0, $0x1, v0  }
0xbe: {  	s6 =	simm.s32 $0x60;
	vm0 =	vlt.s32 v2, $0x3E8;
	(xrf0) =	vadd.scan.msk.s32 $0xffff, v3  }
0xbf: {  	v4 =	vld [tilespmem:s6+$0xC400];
	v2 =	vsel vm0, $0x1, v0;
	(xrf0) =	vadd.scan.msk.s32 $0xffff, v5  }
0xc0: {  	(xrf0) =	vadd.scan.msk.s32 $0xffff, v2  }
0xc1: {  	s28 =	spop (v2sf)  }
0xc2: {  	s4 =	sadd.s32 s4, s28  }
0xc3: {  	v3, _, _ =	vpop (xrf0);
	v5 =	vadd.s32 s4, v1  }
0xc4: {  	(xrf0) =	vadd.scan.msk.s32 $0xffff, v4;
	(v2sf) =	vpush v3, $0xF;
	v2, _, _ =	vpop (xrf0)  }
0xc5: {  	(v2sf) =	vpush v2, $0xF;
	v1, _, _ =	vpop (xrf0)  }
0xc6: {  	vm0 =	vlt.s32 v5, $0x3E8;
	(v2sf) =	vpush v1, $0xF;
	v5, _, _ =	vpop (xrf0)  }
0xc7: {  	s30 =	spop (v2sf);
	v2 =	vsel vm0, $0x1, v0;
	(v2sf) =	vpush v5, $0xF;
	_ =	sdelay $0x2  }
0xc8: {  	(xrf0) =	vadd.scan.msk.s32 $0xffff, v2;
	v2, _, _ =	vpop (xrf0)  }
0xc9: {  	(v2sf) =	vpush v2, $0xF  }
0xca: {  	s29 =	simm.s32 $0x70  }
0xcb: {  	v4 =	vld [tilespmem:s29+$0xC400];
	_ =	sdelay $0x2  }
0xcc: {  	s5 =	sadd.s32 s4, s30  }
0xcd: {  	s31 =	simm.s32 $0x80;
	v5 =	vadd.s32 s5, v3  }
0xce: {  	s2 =	sadd.s32 $0x6600, s2;
	s6 =	simm.s32 $0x240;
	s4 =	spop (v2sf);
	(xrf0) =	vadd.scan.msk.s32 $0xffff, v4;
	v3 =	vld [tilespmem:s31+$0xC400];
	vm0 =	vlt.s32 v5, $0x3E8  }
.LBB2_5:
0xcf: {  	p0 =	seq.s32 s6, $0x3C0  }
0xd0: {  	v5 =	vsel vm0, $0x1, v0;
	s3 =	sadd.s32 s3, s4;
	s4 =	smov.u32 s6;
	s6 =	sadd.s32 $0x40, s6  }
.Ltmp5:
0xd1: {  	(xrf0) =	vadd.scan.msk.s32 $0xffff, v5;
	v4, _, _ =	vpop (xrf0);
	(pc) =	sbr.rel @!p0 .LBB2_5-.Ltmp5, $4  }
0xd2: {  	s7 =	spop (v2sf);
	(v2sf) =	vpush v4, $0xF  }
0xd3: {  	s5 =	sadd.s32 s5, s7  }
0xd4: {  	s4 =	sshra.s32 s4, $0x2;
	(xrf0) =	vadd.scan.msk.s32 $0xffff, v3;
	v4 =	vadd.s32 s5, v1;
	v1 =	vmov v2;
	v2, _, _ =	vpop (xrf0);
	_ =	sdelay $0x1  }
0xd5: {  	v3 =	vld [tilespmem:s4+$0xC400];
	(v2sf) =	vpush v2, $0xF;
	vm0 =	vlt.s32 v4, $0x3E8;
	s4 =	spop (v2sf)  }
0xd6: {  	_ =	sdelay $0x1  }
0xd7: {  	v4, _, _ =	vpop (xrf0)  }
0xd8: {  	(v2sf) =	vpush v4, $0xF;
	v4, _, _ =	vpop (xrf0)  }
0xd9: {  	(v2sf) =	vpush v4, $0xF;
	_ =	sdelay $0x7  }
0xda: {  	v5 =	vsel vm0, $0x1, v0  }
0xdb: {  	s6 =	spop (v2sf);
	(xrf0) =	vadd.scan.msk.s32 $0xffff, v5  }
0xdc: {  	s7 =	spop (v2sf);
	(xrf0) =	vadd.scan.msk.s32 $0xffff, v3  }
0xdd: {  	s5 =	sadd.s32 s5, s6;
	s8 =	spop (v2sf)  }
0xde: {  	v1 =	vadd.s32 s5, v1;
	s9 =	spop (v2sf)  }
0xdf: {  	s22 =	spop (v2sf)  }
0xe0: {  	s5 =	sadd.s32 s5, s8;
	s23 =	spop (v2sf)  }
0xe1: {  	vm11 =	vlt.s32 v1, $0x3E8;
	v2 =	vadd.s32 s5, v2;
	v1, _, _ =	vpop (xrf0);
	s5 =	sadd.s32 s5, s22;
	s24 =	spop (v2sf)  }
0xe2: {  	vm12 =	vlt.s32 v2, $0x3E8;
	v5, _, _ =	vpop (xrf0);
	v3 =	vadd.s32 s5, v4;
	v4 =	vsel vm11, $0x1, v0;
	s5 =	sadd.s32 s5, s24  }
0xe3: {  	(xrf0) =	vadd.scan.msk.s32 $0xffff, v4;
	v4 =	vsel vm12, $0x1, v0;
	vm13 =	vlt.s32 v3, $0x3E8;
	v2 =	vadd.s32 s5, v5  }
0xe4: {  	(xrf0) =	vadd.scan.msk.s32 $0xffff, v4;
	v3 =	vsel vm13, $0x1, v0;
	vm14 =	vlt.s32 v2, $0x3E8  }
0xe5: {  	(xrf0) =	vadd.scan.msk.s32 $0xffff, v3;
	v0 =	vsel vm14, $0x1, v0  }
0xe6: {  	(xrf0) =	vadd.scan.msk.s32 $0xffff, v0;
	_ =	sdelay $0x1  }
0xe7: {  	(v2sf) =	vpush v1, $0xF  }
0xe8: {  	(v2sf) =	vpush v5, $0xF;
	v0, _, _ =	vpop (xrf0)  }
0xe9: {  	(v2sf) =	vpush v0, $0xF;
	v0, _, _ =	vpop (xrf0)  }
0xea: {  	(v2sf) =	vpush v0, $0xF;
	v0, _, _ =	vpop (xrf0)  }
0xeb: {  	(v2sf) =	vpush v0, $0xF;
	v0, _, _ =	vpop (xrf0)  }
0xec: {  	(v2sf) =	vpush v0, $0xF;
	v0 =	vimm.s32 $0x0  }
0xed: {  	[tilespmem:$0xC400] =	vst v0  }
0xee: {  	[tilespmem:$0xC410] =	vst v0  }
0xef: {  	[tilespmem:$0xC420] =	vst v0  }
0xf0: {  	[tilespmem:$0xC430] =	vst v0  }
0xf1: {  	[tilespmem:$0xC440] =	vst v0  }
0xf2: {  	[tilespmem:$0xC450] =	vst v0  }
0xf3: {  	[tilespmem:$0xC460] =	vst v0  }
0xf4: {  	[tilespmem:$0xC470] =	vst v0  }
0xf5: {  	[tilespmem:$0xC480] =	vst v0  }
0xf6: {  	[tilespmem:$0xC490] =	vst v0  }
0xf7: {  	[tilespmem:$0xC4A0] =	vst v0  }
0xf8: {  	[tilespmem:$0xC4B0] =	vst v0  }
0xf9: {  	s3 =	sadd.s32 s3, s4;
	[tilespmem:$0xC4C0] =	vst v0  }
0xfa: {  	s3 =	sadd.s32 s3, s7;
	[tilespmem:$0xC4D0] =	vst v0  }
0xfb: {  	s3 =	sadd.s32 s3, s9;
	s25 =	spop (v2sf);
	[tilespmem:$0xC4E0] =	vst v0  }
0xfc: {  	s3 =	sadd.s32 s3, s23;
	s5 =	simm.s32 $0x6000;
	s26 =	spop (v2sf);
	[tilespmem:$0xC4F0] =	vst v0  }
0xfd: {  	s3 =	sadd.s32 s3, s25;
	v3 =	vld [tilespmem:s5+$0x0];
	s28 =	spop (v2sf)  }
0xfe: {  	s3 =	sadd.s32 s3, s28;
	s29 =	spop (v2sf)  }
0xff: {  	s3 =	sadd.s32 s3, s29;
	s30 =	spop (v2sf)  }
0x100: {  	s3 =	sadd.s32 s3, s30;
	s31 =	spop (v2sf)  }
0x101: {  	s3 =	sadd.s32 s3, s31  }
0x102: {  	v4 =	vshrl.u32 v3, $0x18;
	v2 =	vmov s3  }
0x103: {  	vm15 =	vle.s32 v4, v2  }
0x104: {  	v5 =	vmpcnt.ones.xlane vm15;
	_ =	sdelay $0x1  }
0x105: {  	(v2sf) =	vpush v5, $0x0  }
0x106: {  	v4 =	vand.u32 $0xFF, v3;
	_ =	sdelay $0x1  }
0x107: {  	s4 =	simm.s32 $0x0;
	v1 =	vlaneseq.u32  }
0x108: {  	[tilespmem:s4+$0x8800] =	vst.msk vm15, v3;
	v3 =	vor.u32 s4, v1  }
0x109: {  	v0 =	vimm.s32 $0x1;
	s3 =	simm.s32 $0xC400;
	[tilespmem:s4+$0xB000] =	vst.msk vm15, v3  }
0x10a: {  	s6 =	simm.s32 $0x6010;
	[tilespmem:v4+s3+$0x0] =	vst.idx.add.s32.msk vm15, v0  }
0x10b: {  	s7 =	simm.s32 $0x20;
	s5 =	simm.s32 $0x10;
	v3 =	vld [tilespmem:s6+$0x0]  }
.LBB2_7:
0x10c: {  	p0 =	sne.s32 s7, $0x1380;
	_ =	sdelay $0x3  }
0x10d: {  	v4 =	vshrl.u32 v3, $0x18;
	v5 =	vand.u32 $0xFF, v3  }
0x10e: {  	vm0 =	vle.s32 v4, v2  }
0x10f: {  	v4 =	vmpcnt.ones.xlane vm0  }
0x110: {  	s8 =	spop (v2sf)  }
0x111: {  	(v2sf) =	vpush v4, $0x0;
	s4 =	sadd.s32 s4, s8  }
0x112: {  	[tilespmem:s4+$0x8800] =	vst.msk vm0, v3;
	v3 =	vor.u32 s5, v1;
	s5 =	smov.u32 s7  }
0x113: {  	[tilespmem:s4+$0xB000] =	vst.msk vm0, v3  }
.Ltmp6:
0x114: {  	[tilespmem:v5+s3+$0x0] =	vst.idx.add.s32.msk vm0, v0;
	(pc) =	sbr.rel @p0 .LBB2_7-.Ltmp6, $3  }
0x115: {  	_ =	sdelay $0x1  }
0x116: {  	s6 =	sadd.s32 $0x10, s6  }
0x117: {  	s7 =	sadd.s32 $0x10, s7;
	v3 =	vld [tilespmem:s6+$0x0]  }
0x118: {  	_ =	sdelay $0x3  }
0x119: {  	v4 =	vshrl.u32 v3, $0x18  }
0x11a: {  	vm0 =	vle.s32 v4, v2  }
0x11b: {  	v2 =	vmpcnt.ones.xlane vm0;
	_ =	sdelay $0x1  }
0x11c: {  	(v2sf) =	vpush v2, $0x0;
	_ =	sdelay $0xa  }
0x11d: {  	v56 =	vand.u32 $0xFF, v3  }
0x11e: {  	s6 =	spop (v2sf)  }
0x11f: {  	s4 =	sadd.s32 s4, s6  }
0x120: {  	v1 =	vor.u32 s5, v1;
	v57 =	vimm.s32 $0xFF;
	[tilespmem:s4+$0x8800] =	vst.msk vm0, v3  }
0x121: {  	[tilespmem:s4+$0xB000] =	vst.msk vm0, v1;
	s30 =	spop (v2sf)  }
0x122: {  	v58 =	vimm.s32 $0xFFFFFFFF;
	v59 =	vlaneseq.u32;
	[tilespmem:v56+s3+$0x0] =	vst.idx.add.s32.msk vm0, v0;
	s3 =	sadd.s32 s4, s30  }
0x123: {  	v60 =	vor.u32 $0x1390, v59;
	[tilespmem:s3+$0x8800] =	vst v58  }
0x124: {  	v61 =	vimm.s32 $0x10;
	s31 =	simm.s32 $0xC400;
	[tilespmem:s3+$0xB000] =	vst v60  }
0x125: {  	v62 =	vimm.s32 $0x0;
	[tilespmem:v57+s31+$0x0] =	vst.idx.add.s32.msk $0x1, v61  }
0x126: {  	[tilespmem:$0xC500] =	vst v62  }
0x127: {  	[tilespmem:$0xC510] =	vst v62  }
0x128: {  	[tilespmem:$0xC520] =	vst v62  }
0x129: {  	[tilespmem:$0xC530] =	vst v62  }
0x12a: {  	[tilespmem:$0xC540] =	vst v62  }
0x12b: {  	[tilespmem:$0xC550] =	vst v62  }
0x12c: {  	[tilespmem:$0xC560] =	vst v62  }
0x12d: {  	[tilespmem:$0xC570] =	vst v62  }
0x12e: {  	[tilespmem:$0xC580] =	vst v62  }
0x12f: {  	[tilespmem:$0xC590] =	vst v62  }
0x130: {  	[tilespmem:$0xC5A0] =	vst v62  }
0x131: {  	[tilespmem:$0xC5B0] =	vst v62  }
0x132: {  	[tilespmem:$0xC5C0] =	vst v62  }
0x133: {  	[tilespmem:$0xC5D0] =	vst v62  }
0x134: {  	[tilespmem:$0xC5E0] =	vst v62  }
0x135: {  	s7 =	simm.s32 $0x0;
	[tilespmem:$0xC5F0] =	vst v62  }
0x136: {  	v0 =	vld [tilespmem:s7+$0xC400];
	_ =	sdelay $0x4  }
0x137: {  	(xrf0) =	vadd.scan.msk.s32 $0xffff, v0;
	_ =	sdelay $0x5  }
0x138: {  	v63, _, _ =	vpop (xrf0)  }
0x139: {  	s4 =	simm.s32 $0x0;
	(v2sf) =	vpush v63, $0xF  }
0x13a: {  	v0 =	vsub.s32 s4, v0  }
0x13b: {  	v0 =	vadd.s32 v63, v0  }
0x13c: {  	s5 =	simm.s32 $0x10;
	s6 =	simm.s32 $0x80;
	[tilespmem:s7+$0xC400] =	vst v0  }
.LBB2_9:
0x13d: {  	p0 =	seq.s32 s6, $0x3C0;
	v0 =	vld [tilespmem:s5+$0xC400];
	_ =	sdelay $0x4  }
0x13e: {  	(xrf0) =	vadd.scan.msk.s32 $0xffff, v0;
	_ =	sdelay $0x5  }
.Ltmp7:
0x13f: {  	v1, _, _ =	vpop (xrf0);
	s7 =	spop (v2sf);
	(pc) =	sbr.rel @!p0 .LBB2_9-.Ltmp7, $4  }
0x140: {  	(v2sf) =	vpush v1, $0xF;
	s4 =	sadd.s32 s4, s7  }
0x141: {  	v0 =	vsub.s32 s4, v0  }
0x142: {  	v0 =	vadd.s32 v1, v0  }
0x143: {  	[tilespmem:s5+$0xC400] =	vst v0;
	s5 =	sshra.s32 s6, $0x2;
	s6 =	sadd.s32 $0x40, s6  }
0x144: {  	v0 =	vld [tilespmem:s5+$0xC400];
	_ =	sdelay $0x4  }
0x145: {  	(xrf0) =	vadd.scan.msk.s32 $0xffff, v0;
	_ =	sdelay $0x5  }
0x146: {  	v1, _, _ =	vpop (xrf0)  }
0x147: {  	(v2sf) =	vpush v1, $0xF;
	_ =	sdelay $0x1  }
0x148: {  	s6 =	spop (v2sf)  }
0x149: {  	s4 =	sadd.s32 s4, s6  }
0x14a: {  	v0 =	vsub.s32 s4, v0;
	s4 =	sand.u32 $0xF, s3  }
0x14b: {  	s28 =	sshra.s32 s3, $0x1F;
	p0 =	slt.s32 s3, $0x1;
	p1 =	sne.s32 s4, $0x0  }
0x14c: {  	s29 =	sshrl.u32 s28, $0x1C;
	p0 =	por !p0, !p1  }
0x14d: {  	s30 =	sadd.s32 s29, s3;
	s4 =	simm.s32 $0x1;
	p1 =	por !p0, !p0  }
0x14e: {  	s3 =	sshra.s32 s30, $0x4;
	s4 =	simm.s32 @!p1 $0x0  }
0x14f: {  	s31 =	ssub.s32 s3, s4  }
0x150: {  	p0 =	slt.s32 s31, $0x0  }
.Ltmp8:
0x151: {  	_ = 	snop;
	(pc) =	sbr.rel @p0 .LBB2_14-.Ltmp8, $3  }
0x152: {  	_ =	sdelay $0x1  }
0x153: {  	v0 =	vadd.s32 v1, v0;
	s4 =	simm.s32 $0xFFFFFFFF  }
0x154: {  	[tilespmem:s5+$0xC400] =	vst v0;
	s4 =	simm.s32 @!p1 $0x0;
	s26 =	spop (v2sf)  }
0x155: {  	s5 =	sadd.s32 s4, s3  }
0x156: {  	s11 =	sadd.s32 $0x1, s5  }
0x157: {  	p1 =	seq.s32 s11, $0x1  }
.Ltmp9:
0x158: {  	s9 =	simm.s32 $0x8800;
	(pc) =	sbr.rel @p1 .LBB2_13-.Ltmp9, $3  }
0x159: {  	v1 =	vld [tilespmem:s9+$0x0];
	_ =	sdelay $0x1  }
0x15a: {  	s10 =	simm.s32 $0xB000;
	s6 =	simm.s32 $0x7400;
	s7 =	simm.s32 $0x9C00  }
0x15b: {  	v0 =	vimm.s32 $0x1;
	s8 =	simm.s32 $0xC500;
	s5 =	simm.s32 $0xC400;
	v2 =	vld [tilespmem:s10+$0x0];
	s11 =	sadd.s32 $0xFFFFFFFF, s11  }
.LBB2_12:
0x15c: {  	p1 =	seq.s32 s11, $0x1  }
0x15d: {  	v3 =	vand.u32 $0xFF, v1  }
0x15e: {  	(xrf1) =	vunique.msk.u32 $0xffff, v3;
	_ =	sdelay $0x8  }
0x15f: {  	v4 =	vld.idx.msk [tilespmem:v3+s5+$0x0], $0xffff;
	_ =	sdelay $0x4  }
0x160: {  	_, v5, _ =	vpop (xrf1)  }
0x161: {  	v4 =	vadd.s32 v5, v4  }
0x162: {  	v4 =	vadd.s32 $0xFFFFFFFF, v4;
	_ =	sdelay $0x1  }
0x163: {  	v5 =	vshrl.u32 v1, $0x8  }
0x164: {  	v5 =	vand.u32 $0xFF, v5;
	_ =	sdelay $0x1  }
0x165: {  	[tilespmem:v4+s6+$0x0] =	vst.idx.msk $0xffff, v1  }
0x166: {  	[tilespmem:v4+s7+$0x0] =	vst.idx.msk $0xffff, v2  }
0x167: {  	[tilespmem:v3+s5+$0x0] =	vst.idx.add.s32.msk $0xffff, v0  }
.Ltmp10:
0x168: {  	s9 =	sadd.s32 $0x10, s9;
	[tilespmem:v5+s8+$0x0] =	vst.idx.add.s32.msk $0xffff, v0;
	(pc) =	sbr.rel @!p1 .LBB2_12-.Ltmp10, $3  }
0x169: {  	s10 =	sadd.s32 $0x10, s10;
	v1 =	vld [tilespmem:s9+$0x0]  }
0x16a: {  	v2 =	vld [tilespmem:s10+$0x0];
	_ =	sdelay $0x1  }
0x16b: {  	s11 =	sadd.s32 $0xFFFFFFFF, s11  }
.LBB2_13:
0x16c: {  	_ = 	snop  }
0x16d: {  	v3 =	vand.u32 $0xFF, v1  }
0x16e: {  	(xrf1) =	vunique.msk.u32 $0xffff, v3;
	_ =	sdelay $0x9  }
0x16f: {  	v4 =	vld.idx.msk [tilespmem:v3+s5+$0x0], $0xffff;
	_ =	sdelay $0x3  }
0x170: {  	_, v5, _ =	vpop (xrf1)  }
0x171: {  	v4 =	vadd.s32 v5, v4  }
0x172: {  	v4 =	vadd.s32 $0xFFFFFFFF, v4;
	_ =	sdelay $0x1  }
0x173: {  	v63 =	vshrl.u32 v1, $0x8  }
0x174: {  	v5 =	vand.u32 $0xFF, v63;
	_ =	sdelay $0x1  }
0x175: {  	[tilespmem:v4+s6+$0x0] =	vst.idx.msk $0xffff, v1  }
0x176: {  	[tilespmem:v4+s7+$0x0] =	vst.idx.msk $0xffff, v2  }
0x177: {  	[tilespmem:v3+s5+$0x0] =	vst.idx.add.s32.msk $0xffff, v0  }
0x178: {  	[tilespmem:v5+s8+$0x0] =	vst.idx.add.s32.msk $0xffff, v0  }
.LBB2_14:
0x179: {  	v0 =	vimm.s32 $0x0  }
0x17a: {  	[tilespmem:$0xC400] =	vst v0  }
0x17b: {  	[tilespmem:$0xC410] =	vst v0  }
0x17c: {  	[tilespmem:$0xC420] =	vst v0  }
0x17d: {  	[tilespmem:$0xC430] =	vst v0  }
0x17e: {  	[tilespmem:$0xC440] =	vst v0  }
0x17f: {  	[tilespmem:$0xC450] =	vst v0  }
0x180: {  	[tilespmem:$0xC460] =	vst v0  }
0x181: {  	[tilespmem:$0xC470] =	vst v0  }
0x182: {  	[tilespmem:$0xC480] =	vst v0  }
0x183: {  	[tilespmem:$0xC490] =	vst v0  }
0x184: {  	[tilespmem:$0xC4A0] =	vst v0  }
0x185: {  	[tilespmem:$0xC4B0] =	vst v0  }
0x186: {  	[tilespmem:$0xC4C0] =	vst v0  }
0x187: {  	[tilespmem:$0xC4D0] =	vst v0  }
0x188: {  	[tilespmem:$0xC4E0] =	vst v0  }
0x189: {  	s8 =	simm.s32 $0x0;
	[tilespmem:$0xC4F0] =	vst v0  }
0x18a: {  	v0 =	vld [tilespmem:s8+$0xC500];
	_ =	sdelay $0x4  }
0x18b: {  	(xrf0) =	vadd.scan.msk.s32 $0xffff, v0;
	_ =	sdelay $0x5  }
0x18c: {  	v1, _, _ =	vpop (xrf0)  }
0x18d: {  	s5 =	simm.s32 $0x0;
	(v2sf) =	vpush v1, $0xF  }
0x18e: {  	v0 =	vsub.s32 s5, v0  }
0x18f: {  	v0 =	vadd.s32 v1, v0  }
0x190: {  	s6 =	simm.s32 $0x10;
	s7 =	simm.s32 $0x80;
	[tilespmem:s8+$0xC500] =	vst v0  }
.LBB2_15:
0x191: {  	p1 =	seq.s32 s7, $0x3C0;
	v0 =	vld [tilespmem:s6+$0xC500];
	_ =	sdelay $0x4  }
0x192: {  	(xrf0) =	vadd.scan.msk.s32 $0xffff, v0;
	_ =	sdelay $0x5  }
.Ltmp11:
0x193: {  	v1, _, _ =	vpop (xrf0);
	s8 =	spop (v2sf);
	(pc) =	sbr.rel @!p1 .LBB2_15-.Ltmp11, $4  }
0x194: {  	(v2sf) =	vpush v1, $0xF;
	s5 =	sadd.s32 s5, s8  }
0x195: {  	v0 =	vsub.s32 s5, v0  }
0x196: {  	v0 =	vadd.s32 v1, v0  }
0x197: {  	[tilespmem:s6+$0xC500] =	vst v0;
	s6 =	sshra.s32 s7, $0x2;
	s7 =	sadd.s32 $0x40, s7  }
0x198: {  	v0 =	vld [tilespmem:s6+$0xC500];
	_ =	sdelay $0x4  }
0x199: {  	(xrf0) =	vadd.scan.msk.s32 $0xffff, v0;
	_ =	sdelay $0x5  }
0x19a: {  	v1, _, _ =	vpop (xrf0)  }
0x19b: {  	(v2sf) =	vpush v1, $0xF;
	_ =	sdelay $0xa  }
.Ltmp12:
0x19c: {  	s7 =	spop (v2sf);
	(pc) =	sbr.rel @p0 .LBB2_20-.Ltmp12, $4  }
0x19d: {  	s5 =	sadd.s32 s5, s7  }
0x19e: {  	v0 =	vsub.s32 s5, v0  }
0x19f: {  	v0 =	vadd.s32 v1, v0  }
0x1a0: {  	[tilespmem:s6+$0xC500] =	vst v0;
	s31 =	spop (v2sf)  }
0x1a1: {  	s5 =	sadd.s32 s4, s3  }
0x1a2: {  	s11 =	sadd.s32 $0x1, s5  }
0x1a3: {  	p1 =	seq.s32 s11, $0x1  }
.Ltmp13:
0x1a4: {  	s9 =	simm.s32 $0x7400;
	(pc) =	sbr.rel @p1 .LBB2_19-.Ltmp13, $3  }
0x1a5: {  	v1 =	vld [tilespmem:s9+$0x0];
	_ =	sdelay $0x1  }
0x1a6: {  	s10 =	simm.s32 $0x9C00;
	s6 =	simm.s32 $0x8800;
	s7 =	simm.s32 $0xB000  }
0x1a7: {  	v0 =	vimm.s32 $0x1;
	s8 =	simm.s32 $0xC400;
	s5 =	simm.s32 $0xC500;
	v2 =	vld [tilespmem:s10+$0x0];
	s11 =	sadd.s32 $0xFFFFFFFF, s11  }
.LBB2_18:
0x1a8: {  	p1 =	seq.s32 s11, $0x1  }
0x1a9: {  	v3 =	vshrl.u32 v1, $0x8  }
0x1aa: {  	v3 =	vand.u32 $0xFF, v3  }
0x1ab: {  	(xrf1) =	vunique.msk.u32 $0xffff, v3;
	_ =	sdelay $0x8  }
0x1ac: {  	v4 =	vld.idx.msk [tilespmem:v3+s5+$0x0], $0xffff;
	_ =	sdelay $0x4  }
0x1ad: {  	_, v5, _ =	vpop (xrf1)  }
0x1ae: {  	v4 =	vadd.s32 v5, v4  }
0x1af: {  	v4 =	vadd.s32 $0xFFFFFFFF, v4;
	_ =	sdelay $0x1  }
0x1b0: {  	v5 =	vshrl.u32 v1, $0x10  }
0x1b1: {  	v5 =	vand.u32 $0xFF, v5;
	_ =	sdelay $0x1  }
0x1b2: {  	[tilespmem:v4+s6+$0x0] =	vst.idx.msk $0xffff, v1  }
0x1b3: {  	[tilespmem:v4+s7+$0x0] =	vst.idx.msk $0xffff, v2  }
0x1b4: {  	[tilespmem:v3+s5+$0x0] =	vst.idx.add.s32.msk $0xffff, v0  }
.Ltmp14:
0x1b5: {  	s9 =	sadd.s32 $0x10, s9;
	[tilespmem:v5+s8+$0x0] =	vst.idx.add.s32.msk $0xffff, v0;
	(pc) =	sbr.rel @!p1 .LBB2_18-.Ltmp14, $3  }
0x1b6: {  	s10 =	sadd.s32 $0x10, s10;
	v1 =	vld [tilespmem:s9+$0x0]  }
0x1b7: {  	v2 =	vld [tilespmem:s10+$0x0];
	_ =	sdelay $0x1  }
0x1b8: {  	s11 =	sadd.s32 $0xFFFFFFFF, s11  }
.LBB2_19:
0x1b9: {  	_ = 	snop  }
0x1ba: {  	v3 =	vshrl.u32 v1, $0x8  }
0x1bb: {  	v3 =	vand.u32 $0xFF, v3  }
0x1bc: {  	(xrf1) =	vunique.msk.u32 $0xffff, v3;
	_ =	sdelay $0x9  }
0x1bd: {  	v4 =	vld.idx.msk [tilespmem:v3+s5+$0x0], $0xffff;
	_ =	sdelay $0x3  }
0x1be: {  	_, v5, _ =	vpop (xrf1)  }
0x1bf: {  	v4 =	vadd.s32 v5, v4  }
0x1c0: {  	v4 =	vadd.s32 $0xFFFFFFFF, v4;
	_ =	sdelay $0x1  }
0x1c1: {  	v63 =	vshrl.u32 v1, $0x10  }
0x1c2: {  	v5 =	vand.u32 $0xFF, v63;
	_ =	sdelay $0x1  }
0x1c3: {  	[tilespmem:v4+s6+$0x0] =	vst.idx.msk $0xffff, v1  }
0x1c4: {  	[tilespmem:v4+s7+$0x0] =	vst.idx.msk $0xffff, v2  }
0x1c5: {  	[tilespmem:v3+s5+$0x0] =	vst.idx.add.s32.msk $0xffff, v0  }
0x1c6: {  	[tilespmem:v5+s8+$0x0] =	vst.idx.add.s32.msk $0xffff, v0  }
.LBB2_20:
0x1c7: {  	v0 =	vimm.s32 $0x0  }
0x1c8: {  	[tilespmem:$0xC500] =	vst v0  }
0x1c9: {  	[tilespmem:$0xC510] =	vst v0  }
0x1ca: {  	[tilespmem:$0xC520] =	vst v0  }
0x1cb: {  	[tilespmem:$0xC530] =	vst v0  }
0x1cc: {  	[tilespmem:$0xC540] =	vst v0  }
0x1cd: {  	[tilespmem:$0xC550] =	vst v0  }
0x1ce: {  	[tilespmem:$0xC560] =	vst v0  }
0x1cf: {  	[tilespmem:$0xC570] =	vst v0  }
0x1d0: {  	[tilespmem:$0xC580] =	vst v0  }
0x1d1: {  	[tilespmem:$0xC590] =	vst v0  }
0x1d2: {  	[tilespmem:$0xC5A0] =	vst v0  }
0x1d3: {  	[tilespmem:$0xC5B0] =	vst v0  }
0x1d4: {  	[tilespmem:$0xC5C0] =	vst v0  }
0x1d5: {  	[tilespmem:$0xC5D0] =	vst v0  }
0x1d6: {  	[tilespmem:$0xC5E0] =	vst v0  }
0x1d7: {  	s8 =	simm.s32 $0x0;
	[tilespmem:$0xC5F0] =	vst v0  }
0x1d8: {  	v0 =	vld [tilespmem:s8+$0xC400];
	_ =	sdelay $0x4  }
0x1d9: {  	(xrf0) =	vadd.scan.msk.s32 $0xffff, v0;
	_ =	sdelay $0x5  }
0x1da: {  	v1, _, _ =	vpop (xrf0)  }
0x1db: {  	s5 =	simm.s32 $0x0;
	(v2sf) =	vpush v1, $0xF  }
0x1dc: {  	v0 =	vsub.s32 s5, v0  }
0x1dd: {  	v0 =	vadd.s32 v1, v0  }
0x1de: {  	s6 =	simm.s32 $0x10;
	s7 =	simm.s32 $0x80;
	[tilespmem:s8+$0xC400] =	vst v0  }
.LBB2_21:
0x1df: {  	p1 =	seq.s32 s7, $0x3C0;
	v0 =	vld [tilespmem:s6+$0xC400];
	_ =	sdelay $0x4  }
0x1e0: {  	(xrf0) =	vadd.scan.msk.s32 $0xffff, v0;
	_ =	sdelay $0x5  }
.Ltmp15:
0x1e1: {  	v1, _, _ =	vpop (xrf0);
	s8 =	spop (v2sf);
	(pc) =	sbr.rel @!p1 .LBB2_21-.Ltmp15, $4  }
0x1e2: {  	(v2sf) =	vpush v1, $0xF;
	s5 =	sadd.s32 s5, s8  }
0x1e3: {  	v0 =	vsub.s32 s5, v0  }
0x1e4: {  	v0 =	vadd.s32 v1, v0  }
0x1e5: {  	[tilespmem:s6+$0xC400] =	vst v0;
	s6 =	sshra.s32 s7, $0x2;
	s7 =	sadd.s32 $0x40, s7  }
0x1e6: {  	v0 =	vld [tilespmem:s6+$0xC400];
	_ =	sdelay $0x4  }
0x1e7: {  	(xrf0) =	vadd.scan.msk.s32 $0xffff, v0;
	_ =	sdelay $0x5  }
0x1e8: {  	v1, _, _ =	vpop (xrf0)  }
0x1e9: {  	(v2sf) =	vpush v1, $0xF;
	_ =	sdelay $0xa  }
.Ltmp16:
0x1ea: {  	s7 =	spop (v2sf);
	(pc) =	sbr.rel @p0 .LBB2_26-.Ltmp16, $4  }
0x1eb: {  	s5 =	sadd.s32 s5, s7  }
0x1ec: {  	v0 =	vsub.s32 s5, v0  }
0x1ed: {  	v0 =	vadd.s32 v1, v0  }
0x1ee: {  	[tilespmem:s6+$0xC400] =	vst v0;
	s31 =	spop (v2sf)  }
0x1ef: {  	s5 =	sadd.s32 s4, s3  }
0x1f0: {  	s11 =	sadd.s32 $0x1, s5  }
0x1f1: {  	p1 =	seq.s32 s11, $0x1  }
.Ltmp17:
0x1f2: {  	s9 =	simm.s32 $0x8800;
	(pc) =	sbr.rel @p1 .LBB2_25-.Ltmp17, $3  }
0x1f3: {  	v1 =	vld [tilespmem:s9+$0x0];
	_ =	sdelay $0x1  }
0x1f4: {  	s10 =	simm.s32 $0xB000;
	s6 =	simm.s32 $0x7400;
	s7 =	simm.s32 $0x9C00  }
0x1f5: {  	v0 =	vimm.s32 $0x1;
	s8 =	simm.s32 $0xC500;
	s5 =	simm.s32 $0xC400;
	v2 =	vld [tilespmem:s10+$0x0];
	s11 =	sadd.s32 $0xFFFFFFFF, s11  }
.LBB2_24:
0x1f6: {  	p1 =	seq.s32 s11, $0x1  }
0x1f7: {  	v3 =	vshrl.u32 v1, $0x10  }
0x1f8: {  	v3 =	vand.u32 $0xFF, v3  }
0x1f9: {  	(xrf1) =	vunique.msk.u32 $0xffff, v3;
	_ =	sdelay $0x8  }
0x1fa: {  	v4 =	vld.idx.msk [tilespmem:v3+s5+$0x0], $0xffff;
	_ =	sdelay $0x4  }
0x1fb: {  	_, v5, _ =	vpop (xrf1)  }
0x1fc: {  	v4 =	vadd.s32 v5, v4  }
0x1fd: {  	v4 =	vadd.s32 $0xFFFFFFFF, v4;
	_ =	sdelay $0x2  }
0x1fe: {  	v5 =	vshrl.u32 v1, $0x18;
	_ =	sdelay $0x1  }
0x1ff: {  	[tilespmem:v4+s6+$0x0] =	vst.idx.msk $0xffff, v1  }
0x200: {  	[tilespmem:v4+s7+$0x0] =	vst.idx.msk $0xffff, v2  }
0x201: {  	[tilespmem:v3+s5+$0x0] =	vst.idx.add.s32.msk $0xffff, v0  }
.Ltmp18:
0x202: {  	s9 =	sadd.s32 $0x10, s9;
	[tilespmem:v5+s8+$0x0] =	vst.idx.add.s32.msk $0xffff, v0;
	(pc) =	sbr.rel @!p1 .LBB2_24-.Ltmp18, $3  }
0x203: {  	s10 =	sadd.s32 $0x10, s10;
	v1 =	vld [tilespmem:s9+$0x0]  }
0x204: {  	v2 =	vld [tilespmem:s10+$0x0];
	_ =	sdelay $0x1  }
0x205: {  	s11 =	sadd.s32 $0xFFFFFFFF, s11  }
.LBB2_25:
0x206: {  	_ = 	snop  }
0x207: {  	v3 =	vshrl.u32 v1, $0x10  }
0x208: {  	v3 =	vand.u32 $0xFF, v3  }
0x209: {  	(xrf1) =	vunique.msk.u32 $0xffff, v3;
	_ =	sdelay $0x9  }
0x20a: {  	v4 =	vld.idx.msk [tilespmem:v3+s5+$0x0], $0xffff;
	_ =	sdelay $0x3  }
0x20b: {  	_, v5, _ =	vpop (xrf1)  }
0x20c: {  	v4 =	vadd.s32 v5, v4  }
0x20d: {  	v4 =	vadd.s32 $0xFFFFFFFF, v4;
	_ =	sdelay $0x2  }
0x20e: {  	v63 =	vshrl.u32 v1, $0x18;
	_ =	sdelay $0x1  }
0x20f: {  	[tilespmem:v4+s6+$0x0] =	vst.idx.msk $0xffff, v1  }
0x210: {  	[tilespmem:v4+s7+$0x0] =	vst.idx.msk $0xffff, v2  }
0x211: {  	[tilespmem:v3+s5+$0x0] =	vst.idx.add.s32.msk $0xffff, v0  }
0x212: {  	[tilespmem:v63+s8+$0x0] =	vst.idx.add.s32.msk $0xffff, v0  }
.LBB2_26:
0x213: {  	s8 =	simm.s32 $0x0  }
0x214: {  	v0 =	vld [tilespmem:s8+$0xC500];
	_ =	sdelay $0x4  }
0x215: {  	(xrf0) =	vadd.scan.msk.s32 $0xffff, v0;
	_ =	sdelay $0x5  }
0x216: {  	v1, _, _ =	vpop (xrf0)  }
0x217: {  	s5 =	simm.s32 $0x0;
	(v2sf) =	vpush v1, $0xF  }
0x218: {  	v0 =	vsub.s32 s5, v0  }
0x219: {  	v0 =	vadd.s32 v1, v0  }
0x21a: {  	s6 =	simm.s32 $0x10;
	s7 =	simm.s32 $0x80;
	[tilespmem:s8+$0xC500] =	vst v0  }
.LBB2_27:
0x21b: {  	p1 =	seq.s32 s7, $0x3C0;
	v0 =	vld [tilespmem:s6+$0xC500];
	_ =	sdelay $0x4  }
0x21c: {  	(xrf0) =	vadd.scan.msk.s32 $0xffff, v0;
	_ =	sdelay $0x5  }
.Ltmp19:
0x21d: {  	v1, _, _ =	vpop (xrf0);
	s8 =	spop (v2sf);
	(pc) =	sbr.rel @!p1 .LBB2_27-.Ltmp19, $4  }
0x21e: {  	(v2sf) =	vpush v1, $0xF;
	s5 =	sadd.s32 s5, s8  }
0x21f: {  	v0 =	vsub.s32 s5, v0  }
0x220: {  	v0 =	vadd.s32 v1, v0  }
0x221: {  	[tilespmem:s6+$0xC500] =	vst v0;
	s6 =	sshra.s32 s7, $0x2;
	s7 =	sadd.s32 $0x40, s7  }
0x222: {  	v0 =	vld [tilespmem:s6+$0xC500];
	_ =	sdelay $0x4  }
0x223: {  	(xrf0) =	vadd.scan.msk.s32 $0xffff, v0;
	_ =	sdelay $0x5  }
0x224: {  	v1, _, _ =	vpop (xrf0)  }
0x225: {  	(v2sf) =	vpush v1, $0xF;
	_ =	sdelay $0xa  }
.Ltmp20:
0x226: {  	s7 =	spop (v2sf);
	(pc) =	sbr.rel @p0 .LBB2_32-.Ltmp20, $4  }
0x227: {  	s5 =	sadd.s32 s5, s7  }
0x228: {  	v0 =	vsub.s32 s5, v0  }
0x229: {  	v0 =	vadd.s32 v1, v0  }
0x22a: {  	[tilespmem:s6+$0xC500] =	vst v0;
	s31 =	spop (v2sf)  }
0x22b: {  	s3 =	sadd.s32 s4, s3  }
0x22c: {  	s8 =	sadd.s32 $0x1, s3  }
0x22d: {  	p0 =	sne.s32 s8, $0x1  }
.Ltmp21:
0x22e: {  	_ = 	snop;
	(pc) =	sbr.rel @!p0 .LBB2_31-.Ltmp21, $4  }
0x22f: {  	s6 =	simm.s32 $0x7400  }
0x230: {  	v1 =	vld [tilespmem:s6+$0x0]  }
0x231: {  	s7 =	simm.s32 $0x9C00;
	s4 =	simm.s32 $0x8800  }
0x232: {  	s5 =	simm.s32 $0xB000;
	v0 =	vimm.s32 $0x1;
	s3 =	simm.s32 $0xC500;
	v2 =	vld [tilespmem:s7+$0x0];
	s8 =	sadd.s32 $0xFFFFFFFF, s8  }
.LBB2_30:
0x233: {  	p0 =	sne.s32 s8, $0x1;
	_ =	sdelay $0x1  }
0x234: {  	v3 =	vshrl.u32 v1, $0x18  }
0x235: {  	(xrf1) =	vunique.msk.u32 $0xffff, v3;
	_ =	sdelay $0x8  }
0x236: {  	v4 =	vld.idx.msk [tilespmem:v3+s3+$0x0], $0xffff;
	_ =	sdelay $0x4  }
0x237: {  	_, v5, _ =	vpop (xrf1)  }
0x238: {  	v4 =	vadd.s32 v5, v4  }
0x239: {  	v4 =	vadd.s32 $0xFFFFFFFF, v4;
	_ =	sdelay $0x4  }
0x23a: {  	[tilespmem:v4+s4+$0x0] =	vst.idx.msk $0xffff, v1  }
.Ltmp22:
0x23b: {  	[tilespmem:v4+s5+$0x0] =	vst.idx.msk $0xffff, v2;
	(pc) =	sbr.rel @p0 .LBB2_30-.Ltmp22, $4  }
0x23c: {  	s6 =	sadd.s32 $0x10, s6;
	[tilespmem:v3+s3+$0x0] =	vst.idx.add.s32.msk $0xffff, v0  }
0x23d: {  	s7 =	sadd.s32 $0x10, s7;
	v1 =	vld [tilespmem:s6+$0x0]  }
0x23e: {  	v2 =	vld [tilespmem:s7+$0x0]  }
0x23f: {  	s8 =	sadd.s32 $0xFFFFFFFF, s8  }
.LBB2_31:
0x240: {  	_ =	sdelay $0x1  }
0x241: {  	v3 =	vshrl.u32 v1, $0x18  }
0x242: {  	(xrf1) =	vunique.msk.u32 $0xffff, v3;
	_ =	sdelay $0x9  }
0x243: {  	v4 =	vld.idx.msk [tilespmem:v3+s3+$0x0], $0xffff;
	_ =	sdelay $0x3  }
0x244: {  	_, v5, _ =	vpop (xrf1)  }
0x245: {  	v4 =	vadd.s32 v5, v4  }
0x246: {  	v4 =	vadd.s32 $0xFFFFFFFF, v4;
	_ =	sdelay $0x4  }
0x247: {  	[tilespmem:v4+s4+$0x0] =	vst.idx.msk $0xffff, v1  }
0x248: {  	[tilespmem:v4+s5+$0x0] =	vst.idx.msk $0xffff, v2  }
0x249: {  	[tilespmem:v3+s3+$0x0] =	vst.idx.add.s32.msk $0xffff, v0  }
.LBB2_32:
0x24a: {  	s3 =	simm.s32 $0x80  }
0x24b: {  	s4 =	simm.s32 $0x400;
	s5 =	simm.s32 $0xB000;
	s31 =	simm.s32 $0x1  }
0x24c: {  	[hbm4b:s2+s3] =	stream.strided.scatter [tilespmem:s5], [sflag:$0x1], $0x400, s4, s3, $0x38;
	[tilespmem:$0xC600] =	vst v63  }
0x24d: {  	_ =	swait.ge [sflag:s31], $0x400  }
0x24e: {  	[sflag:s31] =	ssyncset.done $0x0  }
0x24f: {  	[sflag:s31] =	ssyncadd.s32 $0xFFFFFC00  }
0x250: {  	_ =	sfence.sel $0x180000  }
0x251: {  	[bflag:$0x0] =	sbarrier.arrive $0xFFFF  }
0x252: {  	p0 =	sne.s32 s1, $0x0;
	_ =	strace $0x90000047  }
0x253: {  	s0 =	sadd.s32 @!p0 $0x100000, s0;
	[bflag:$0x2] =	sbarrier.arrive $0xFFFF  }
0x254: {  	[sflag:s0] =	ssyncadd.tile.s32 @!p0 $0x1;
	_ =	shalt  }
.Lfunc_end2:
_tile_overlayer_lowered:
.L_overlay_start_2:
0x255: {  	(tag) =	ssettag $0x2  }
0x256: {  	s0 =	rddreg [dreg:$0x0];
	s2 =	stileid.u32  }
0x257: {  	s1 =	rddreg [dreg:$0x1];
	p0 =	sne.s32 s2, $0x0  }
0x258: {  	s3 =	rddreg [dreg:$0x2];
	[bflag:$0x3] =	sbarrier.arrive $0xFFFF;
	s2 =	simm.s32 @!p0 $0x1C01  }
0x259: {  	[timem:s3], [sflag:s2] =	dma.local @!p0 [hbm:s0], s1  }
0x25a: {  	s0 =	simm.s32 @!p0 $0x1  }
0x25b: {  	_ =	swait.ge @!p0 [sflag:s0], s1  }
0x25c: {  	s1 =	ssub.s32 @!p0 $0x0, s1;
	[sflag:s0] =	ssyncset.done @!p0 $0x0  }
0x25d: {  	[sflag:s0] =	ssyncadd.s32 @!p0 s1  }
0x25e: {  	[bflag:$0x3] =	sbarrier.arrive $0xFFFF  }
0x25f: {  	_ =	shalt  }

</sc_bundles>
